<compile_context>
chip_gen: v7x
topology: tpu7x:2x2x1
jax: 0.10.2.dev20260603
libtpu: 0.0.44.dev20260713+nightly
codegen_flags: <defaults>
</compile_context>

<pallas_src>
import jax
import jax.numpy as jnp
from jax import lax
from jax.experimental import pallas as pl
from jax.experimental.pallas import tpu as pltpu
from jax.experimental.pallas import tpu_sc as plsc

E = 300
EP = 384
NC, NS = 2, 16
NW = NC * NS
C = 128


def _sc_body(q_idx, d_idx, qt, dt, q_out, d_out,
             idx0, idx1, rows0, rows1,
             gsem0, gsem1, wsem0, wsem1, isem0, isem1):
    wid = lax.axis_index("s") * NC + lax.axis_index("c")
    idx = (idx0, idx1)
    rows = (rows0, rows1)
    gsem = (gsem0, gsem1)
    wsem = (wsem0, wsem1)
    isem = (isem0, isem1)

    def phase(idx_hbm, table, out_hbm):
        per_w = idx_hbm.shape[0] // NW
        n = per_w // C
        base_w = wid * per_w

        def idx_load(s, i):
            pltpu.async_copy(idx_hbm.at[pl.ds(base_w + i * C, C)],
                             idx[s], isem[s])

        def idx_wait(s):
            pltpu.make_async_copy(
                idx_hbm.at[pl.ds(0, C)], idx[s], isem[s]).wait()

        idx_load(0, 0)
        idx_load(1, 1)
        idx_wait(0)
        pltpu.async_copy(table.at[idx[0]], rows[0], gsem[0])

        @pl.loop(0, n, step=2)
        def _(g):
            for s in (0, 1):
                i = g + s
                nxt = 1 - s

                @pl.when(i + 1 < n)
                def _():
                    @pl.when(i >= 1)
                    def _():
                        pltpu.make_async_copy(
                            rows[nxt], out_hbm.at[pl.ds(0, C)], wsem[nxt]
                        ).wait()
                    idx_wait(nxt)
                    pltpu.async_copy(table.at[idx[nxt]], rows[nxt], gsem[nxt])

                pltpu.make_async_copy(table.at[idx[s]], rows[s], gsem[s]).wait()
                pltpu.async_copy(rows[s], out_hbm.at[pl.ds(base_w + i * C, C)],
                                 wsem[s])

                @pl.when(i + 2 < n)
                def _():
                    idx_load(s, i + 2)

        for s in (0, 1):
            pltpu.make_async_copy(
                rows[s], out_hbm.at[pl.ds(0, C)], wsem[s]).wait()

    phase(q_idx, qt, q_out)
    phase(d_idx, dt, d_out)


def kernel(query, doc, query_table, doc_table):
    B, Lq = query.shape
    _, Ld = doc.shape
    V = query_table.shape[0]
    LqP = -(-Lq // 8) * 8
    pad_block = (jnp.arange(B * (LqP - Lq), dtype=jnp.int32) % V).reshape(
        B, LqP - Lq)
    q_idx = jnp.concatenate(
        [query.astype(jnp.int32), pad_block], axis=1).reshape(-1)
    d_idx = doc.reshape(-1).astype(jnp.int32)
    qt = jnp.pad(query_table, ((0, 0), (0, EP - E)))
    dt = jnp.pad(doc_table, ((0, 0), (0, EP - E)))

    call = pl.kernel(
        _sc_body,
        out_type=(
            jax.ShapeDtypeStruct((q_idx.shape[0], EP), jnp.float32),
            jax.ShapeDtypeStruct((d_idx.shape[0], EP), jnp.float32),
        ),
        mesh=plsc.VectorSubcoreMesh(
            core_axis_name="c", subcore_axis_name="s",
            num_cores=NC, num_subcores=NS,
        ),
        scratch_types=[
            pltpu.VMEM((C,), jnp.int32),
            pltpu.VMEM((C,), jnp.int32),
            pltpu.VMEM((C, EP), jnp.float32),
            pltpu.VMEM((C, EP), jnp.float32),
            pltpu.SemaphoreType.DMA,
            pltpu.SemaphoreType.DMA,
            pltpu.SemaphoreType.DMA,
            pltpu.SemaphoreType.DMA,
            pltpu.SemaphoreType.DMA,
            pltpu.SemaphoreType.DMA,
        ],
    )
    q_rows, d_rows = call(q_idx, d_idx, qt, dt)
    return (q_rows.reshape(B, LqP, EP)[:, :Lq, :E],
            d_rows[:, :E].reshape(B, Ld, E))

# --- scband reference (transcript-rebuilt; emitter-appended) ---
"""Pipeline reference for scband-abmodel-two-towers-89498528514268 (READ-ONLY COPY).

The authoritative reference and input builder live on the scoring server;
editing this copy changes nothing except your own understanding.
"""

import jax, jax.numpy as jnp
import numpy as np

VOCAB = 30522
EMBED = 300

def setup_inputs(seed: int = 0) -> dict:
    key = jax.random.key(seed)
    k1, k2, k3, k4 = jax.random.split(key, 4)
    query = jax.random.randint(k1, (16384, 20), 0, VOCAB, dtype=jnp.int64) if jax.config.jax_enable_x64 else jax.random.randint(k1, (16384, 20), 0, VOCAB, dtype=jnp.int32)
    doc = jax.random.randint(k2, (16384, 200), 0, VOCAB, dtype=jnp.int64) if jax.config.jax_enable_x64 else jax.random.randint(k2, (16384, 200), 0, VOCAB, dtype=jnp.int32)
    # learned parameters: two embedding tables (nn.Embedding default init ~ N(0,1))
    query_table = jax.random.normal(k3, (VOCAB, EMBED), dtype=jnp.float32)
    doc_table = jax.random.normal(k4, (VOCAB, EMBED), dtype=jnp.float32)
    return {"query": query, "doc": doc, "query_table": query_table, "doc_table": doc_table}

def reference(query, doc, query_table, doc_table):
    # ABModelTwoTowers: two independent embedding lookups (query tower, doc tower)
    q_emb = jnp.take(query_table, query, axis=0)   # [B, Lq, E]
    d_emb = jnp.take(doc_table, doc, axis=0)       # [B, Ld, E]
    return (q_emb, d_emb)

if __name__ == "__main__":
    import jax
    _d = setup_inputs()
    print(jax.jit(kernel)(*tuple(_d.values())))

</pallas_src>

<mosaic_0001>
#map = affine_map<(d0, d1) -> (0)>
#map1 = affine_map<(d0, d1) -> (0, 0)>
module attributes {stable_mosaic.version = 14 : i64} {
  func.func @_sc_body(%arg0: i32, %arg1: i32, %arg2: memref<393216xi32, #tpu.memory_space<hbm>>, %arg3: memref<3276800xi32, #tpu.memory_space<hbm>>, %arg4: memref<30522x384xf32, #tpu.memory_space<hbm>>, %arg5: memref<30522x384xf32, #tpu.memory_space<hbm>>, %arg6: memref<393216x384xf32, #tpu.memory_space<hbm>>, %arg7: memref<3276800x384xf32, #tpu.memory_space<hbm>>, %arg8: memref<128xi32, #tpu.memory_space<vmem>>, %arg9: memref<128xi32, #tpu.memory_space<vmem>>, %arg10: memref<128x384xf32, #tpu.memory_space<vmem>>, %arg11: memref<128x384xf32, #tpu.memory_space<vmem>>, %arg12: memref<!tpu.dma_semaphore, #tpu.memory_space<semaphore_mem>>, %arg13: memref<!tpu.dma_semaphore, #tpu.memory_space<semaphore_mem>>, %arg14: memref<!tpu.dma_semaphore, #tpu.memory_space<semaphore_mem>>, %arg15: memref<!tpu.dma_semaphore, #tpu.memory_space<semaphore_mem>>, %arg16: memref<!tpu.dma_semaphore, #tpu.memory_space<semaphore_mem>>, %arg17: memref<!tpu.dma_semaphore, #tpu.memory_space<semaphore_mem>>) attributes {dimension_semantics = [#tpu.dimension_semantics<core_parallel>, #tpu.dimension_semantics<subcore_parallel>], iteration_bounds = array<i64: 2, 16>, scalar_prefetch = 0 : i64, scratch_operands = 10 : i64, tpu.core_type = #tpu.core_type<sc_vector_subcore>, window_params = [{transform_indices = #map}, {transform_indices = #map}, {transform_indices = #map1}, {transform_indices = #map1}, {transform_indices = #map1}, {transform_indices = #map1}]} {
    %mul3A = arith.constant 2 : i32
    %mul3A_0 = arith.muli %arg1, %mul3A : i32
    %add3A = arith.addi %mul3A_0, %arg0 : i32
    %mul3A_1 = arith.constant 12288 : i32
    %mul3A_2 = arith.muli %add3A, %mul3A_1 : i32
    %add3A_3 = arith.constant 0 : i32
    %add3A_4 = arith.addi %mul3A_2, %add3A_3 : i32
    %dma_start3A = tpu.memref_slice %arg2[%add3A_4] : memref<393216xi32, #tpu.memory_space<hbm>> -> memref<128xi32, #tpu.memory_space<hbm>>
    %dma_start3A_5 = tpu.memref_slice %arg2[%add3A_4] : memref<393216xi32, #tpu.memory_space<hbm>> -> memref<128xi32, #tpu.memory_space<hbm>>
    tpu.enqueue_dma source(%dma_start3A_5 : memref<128xi32, #tpu.memory_space<hbm>>) target(%arg8 : memref<128xi32, #tpu.memory_space<vmem>>) target_semaphore(%arg16 : memref<!tpu.dma_semaphore, #tpu.memory_space<semaphore_mem>>)
    %add3A_6 = arith.constant 128 : i32
    %add3A_7 = arith.addi %mul3A_2, %add3A_6 : i32
    %dma_start3A_8 = tpu.memref_slice %arg2[%add3A_7] : memref<393216xi32, #tpu.memory_space<hbm>> -> memref<128xi32, #tpu.memory_space<hbm>>
    %dma_start3A_9 = tpu.memref_slice %arg2[%add3A_7] : memref<393216xi32, #tpu.memory_space<hbm>> -> memref<128xi32, #tpu.memory_space<hbm>>
    tpu.enqueue_dma source(%dma_start3A_9 : memref<128xi32, #tpu.memory_space<hbm>>) target(%arg9 : memref<128xi32, #tpu.memory_space<vmem>>) target_semaphore(%arg17 : memref<!tpu.dma_semaphore, #tpu.memory_space<semaphore_mem>>)
    %dma_wait3A = arith.constant 0 : i32
    %dma_wait3A_10 = tpu.memref_slice %arg2[%dma_wait3A] : memref<393216xi32, #tpu.memory_space<hbm>> -> memref<128xi32, #tpu.memory_space<hbm>>
    %dma_wait3A_11 = arith.constant 0 : i32
    %dma_wait3A_12 = tpu.memref_slice %arg2[%dma_wait3A_11] : memref<393216xi32, #tpu.memory_space<hbm>> -> memref<128xi32, #tpu.memory_space<hbm>>
    tpu.wait_dma2 semaphore(%arg16 : memref<!tpu.dma_semaphore, #tpu.memory_space<semaphore_mem>>) src(%dma_wait3A_12 : memref<128xi32, #tpu.memory_space<hbm>>) dst(%arg8 : memref<128xi32, #tpu.memory_space<vmem>>)
    %dma_start3A_13 = arith.constant 0 : i32
    %dma_start3A_14 = arith.constant 0 : i32
    %dma_start3A_15 = tpu.memref_slice %arg4[%dma_start3A_13, %dma_start3A_14] : memref<30522x384xf32, #tpu.memory_space<hbm>> -> memref<30522x384xf32, #tpu.memory_space<hbm>>
    tpu.enqueue_indirect_dma source(%dma_start3A_15 : memref<30522x384xf32, #tpu.memory_space<hbm>>) target(%arg10 : memref<128x384xf32, #tpu.memory_space<vmem>>) offsets(%arg8 : memref<128xi32, #tpu.memory_space<vmem>>) semaphore(%arg12 : memref<!tpu.dma_semaphore, #tpu.memory_space<semaphore_mem>>)
    %scan3A = arith.constant 0 : i32
    %scan3A_16 = arith.constant 48 : i32
    %scan3A_17 = arith.addi %scan3A, %scan3A_16 : i32
    %scan3A_18 = arith.constant 1 : i32
    scf.for %scan3A_66 = %scan3A to %scan3A_17 step %scan3A_18  : i32 {
      %mul3A_67 = arith.constant 2 : i32
      %mul3A_68 = arith.muli %scan3A_66, %mul3A_67 : i32
      %add3A_69 = arith.constant 0 : i32
      %add3A_70 = arith.addi %add3A_69, %mul3A_68 : i32
      %add3A_71 = arith.constant 0 : i32
      %add3A_72 = arith.addi %add3A_70, %add3A_71 : i32
      %add3A_73 = arith.constant 1 : i32
      %add3A_74 = arith.addi %add3A_72, %add3A_73 : i32
      %lt3A = arith.constant 96 : i32
      %lt3A_75 = arith.cmpi slt, %add3A_74, %lt3A : i32
      %convert_element_type3A = arith.extui %lt3A_75 : i1 to i32
      %cond3A = arith.constant 0 : i32
      %cond3A_76 = arith.cmpi ne, %convert_element_type3A, %cond3A : i32
      scf.if %cond3A_76 {
        %ge3A = arith.constant 1 : i32
        %ge3A_120 = arith.cmpi sge, %add3A_72, %ge3A : i32
        %convert_element_type3A_121 = arith.extui %ge3A_120 : i1 to i32
        %cond3A_122 = arith.constant 0 : i32
        %cond3A_123 = arith.cmpi ne, %convert_element_type3A_121, %cond3A_122 : i32
        scf.if %cond3A_123 {
          %dma_wait3A_131 = arith.constant 0 : i32
          %dma_wait3A_132 = arith.constant 0 : i32
          %dma_wait3A_133 = tpu.memref_slice %arg6[%dma_wait3A_131, %dma_wait3A_132] : memref<393216x384xf32, #tpu.memory_space<hbm>> -> memref<128x384xf32, #tpu.memory_space<hbm>>
          %dma_wait3A_134 = arith.constant 0 : i32
          %dma_wait3A_135 = arith.constant 0 : i32
          %dma_wait3A_136 = tpu.memref_slice %arg6[%dma_wait3A_134, %dma_wait3A_135] : memref<393216x384xf32, #tpu.memory_space<hbm>> -> memref<128x384xf32, #tpu.memory_space<hbm>>
          tpu.wait_dma2 semaphore(%arg15 : memref<!tpu.dma_semaphore, #tpu.memory_space<semaphore_mem>>) src(%arg11 : memref<128x384xf32, #tpu.memory_space<vmem>>) dst(%dma_wait3A_136 : memref<128x384xf32, #tpu.memory_space<hbm>>)
        } else {
        }
        %dma_wait3A_124 = arith.constant 0 : i32
        %dma_wait3A_125 = tpu.memref_slice %arg2[%dma_wait3A_124] : memref<393216xi32, #tpu.memory_space<hbm>> -> memref<128xi32, #tpu.memory_space<hbm>>
        %dma_wait3A_126 = arith.constant 0 : i32
        %dma_wait3A_127 = tpu.memref_slice %arg2[%dma_wait3A_126] : memref<393216xi32, #tpu.memory_space<hbm>> -> memref<128xi32, #tpu.memory_space<hbm>>
        tpu.wait_dma2 semaphore(%arg17 : memref<!tpu.dma_semaphore, #tpu.memory_space<semaphore_mem>>) src(%dma_wait3A_127 : memref<128xi32, #tpu.memory_space<hbm>>) dst(%arg9 : memref<128xi32, #tpu.memory_space<vmem>>)
        %dma_start3A_128 = arith.constant 0 : i32
        %dma_start3A_129 = arith.constant 0 : i32
        %dma_start3A_130 = tpu.memref_slice %arg4[%dma_start3A_128, %dma_start3A_129] : memref<30522x384xf32, #tpu.memory_space<hbm>> -> memref<30522x384xf32, #tpu.memory_space<hbm>>
        tpu.enqueue_indirect_dma source(%dma_start3A_130 : memref<30522x384xf32, #tpu.memory_space<hbm>>) target(%arg11 : memref<128x384xf32, #tpu.memory_space<vmem>>) offsets(%arg9 : memref<128xi32, #tpu.memory_space<vmem>>) semaphore(%arg13 : memref<!tpu.dma_semaphore, #tpu.memory_space<semaphore_mem>>)
      } else {
      }
      %dma_wait3A_77 = arith.constant 0 : i32
      %dma_wait3A_78 = arith.constant 0 : i32
      %dma_wait3A_79 = tpu.memref_slice %arg4[%dma_wait3A_77, %dma_wait3A_78] : memref<30522x384xf32, #tpu.memory_space<hbm>> -> memref<30522x384xf32, #tpu.memory_space<hbm>>
      tpu.wait_indirect_dma semaphore(%arg12 : memref<!tpu.dma_semaphore, #tpu.memory_space<semaphore_mem>>) src(%dma_wait3A_79 : memref<30522x384xf32, #tpu.memory_space<hbm>>) dst(%arg10 : memref<128x384xf32, #tpu.memory_space<vmem>>)
      %mul3A_80 = arith.constant 128 : i32
      %mul3A_81 = arith.muli %add3A_72, %mul3A_80 : i32
      %add3A_82 = arith.addi %mul3A_2, %mul3A_81 : i32
      %dma_start3A_83 = arith.constant 0 : i32
      %dma_start3A_84 = tpu.memref_slice %arg6[%add3A_82, %dma_start3A_83] : memref<393216x384xf32, #tpu.memory_space<hbm>> -> memref<128x384xf32, #tpu.memory_space<hbm>>
      %dma_start3A_85 = arith.constant 0 : i32
      %dma_start3A_86 = tpu.memref_slice %arg6[%add3A_82, %dma_start3A_85] : memref<393216x384xf32, #tpu.memory_space<hbm>> -> memref<128x384xf32, #tpu.memory_space<hbm>>
      tpu.enqueue_dma source(%arg10 : memref<128x384xf32, #tpu.memory_space<vmem>>) target(%dma_start3A_86 : memref<128x384xf32, #tpu.memory_space<hbm>>) target_semaphore(%arg14 : memref<!tpu.dma_semaphore, #tpu.memory_space<semaphore_mem>>)
      %add3A_87 = arith.constant 2 : i32
      %add3A_88 = arith.addi %add3A_72, %add3A_87 : i32
      %lt3A_89 = arith.constant 96 : i32
      %lt3A_90 = arith.cmpi slt, %add3A_88, %lt3A_89 : i32
      %convert_element_type3A_91 = arith.extui %lt3A_90 : i1 to i32
      %cond3A_92 = arith.constant 0 : i32
      %cond3A_93 = arith.cmpi ne, %convert_element_type3A_91, %cond3A_92 : i32
      scf.if %cond3A_93 {
        %add3A_120 = arith.constant 2 : i32
        %add3A_121 = arith.addi %add3A_72, %add3A_120 : i32
        %mul3A_122 = arith.constant 128 : i32
        %mul3A_123 = arith.muli %add3A_121, %mul3A_122 : i32
        %add3A_124 = arith.addi %mul3A_2, %mul3A_123 : i32
        %dma_start3A_125 = tpu.memref_slice %arg2[%add3A_124] : memref<393216xi32, #tpu.memory_space<hbm>> -> memref<128xi32, #tpu.memory_space<hbm>>
        %dma_start3A_126 = tpu.memref_slice %arg2[%add3A_124] : memref<393216xi32, #tpu.memory_space<hbm>> -> memref<128xi32, #tpu.memory_space<hbm>>
        tpu.enqueue_dma source(%dma_start3A_126 : memref<128xi32, #tpu.memory_space<hbm>>) target(%arg8 : memref<128xi32, #tpu.memory_space<vmem>>) target_semaphore(%arg16 : memref<!tpu.dma_semaphore, #tpu.memory_space<semaphore_mem>>)
      } else {
      }
      %add3A_94 = arith.constant 1 : i32
      %add3A_95 = arith.addi %add3A_70, %add3A_94 : i32
      %add3A_96 = arith.constant 1 : i32
      %add3A_97 = arith.addi %add3A_95, %add3A_96 : i32
      %lt3A_98 = arith.constant 96 : i32
      %lt3A_99 = arith.cmpi slt, %add3A_97, %lt3A_98 : i32
      %convert_element_type3A_100 = arith.extui %lt3A_99 : i1 to i32
      %cond3A_101 = arith.constant 0 : i32
      %cond3A_102 = arith.cmpi ne, %convert_element_type3A_100, %cond3A_101 : i32
      scf.if %cond3A_102 {
        %ge3A = arith.constant 1 : i32
        %ge3A_120 = arith.cmpi sge, %add3A_95, %ge3A : i32
        %convert_element_type3A_121 = arith.extui %ge3A_120 : i1 to i32
        %cond3A_122 = arith.constant 0 : i32
        %cond3A_123 = arith.cmpi ne, %convert_element_type3A_121, %cond3A_122 : i32
        scf.if %cond3A_123 {
          %dma_wait3A_131 = arith.constant 0 : i32
          %dma_wait3A_132 = arith.constant 0 : i32
          %dma_wait3A_133 = tpu.memref_slice %arg6[%dma_wait3A_131, %dma_wait3A_132] : memref<393216x384xf32, #tpu.memory_space<hbm>> -> memref<128x384xf32, #tpu.memory_space<hbm>>
          %dma_wait3A_134 = arith.constant 0 : i32
          %dma_wait3A_135 = arith.constant 0 : i32
          %dma_wait3A_136 = tpu.memref_slice %arg6[%dma_wait3A_134, %dma_wait3A_135] : memref<393216x384xf32, #tpu.memory_space<hbm>> -> memref<128x384xf32, #tpu.memory_space<hbm>>
          tpu.wait_dma2 semaphore(%arg14 : memref<!tpu.dma_semaphore, #tpu.memory_space<semaphore_mem>>) src(%arg10 : memref<128x384xf32, #tpu.memory_space<vmem>>) dst(%dma_wait3A_136 : memref<128x384xf32, #tpu.memory_space<hbm>>)
        } else {
        }
        %dma_wait3A_124 = arith.constant 0 : i32
        %dma_wait3A_125 = tpu.memref_slice %arg2[%dma_wait3A_124] : memref<393216xi32, #tpu.memory_space<hbm>> -> memref<128xi32, #tpu.memory_space<hbm>>
        %dma_wait3A_126 = arith.constant 0 : i32
        %dma_wait3A_127 = tpu.memref_slice %arg2[%dma_wait3A_126] : memref<393216xi32, #tpu.memory_space<hbm>> -> memref<128xi32, #tpu.memory_space<hbm>>
        tpu.wait_dma2 semaphore(%arg16 : memref<!tpu.dma_semaphore, #tpu.memory_space<semaphore_mem>>) src(%dma_wait3A_127 : memref<128xi32, #tpu.memory_space<hbm>>) dst(%arg8 : memref<128xi32, #tpu.memory_space<vmem>>)
        %dma_start3A_128 = arith.constant 0 : i32
        %dma_start3A_129 = arith.constant 0 : i32
        %dma_start3A_130 = tpu.memref_slice %arg4[%dma_start3A_128, %dma_start3A_129] : memref<30522x384xf32, #tpu.memory_space<hbm>> -> memref<30522x384xf32, #tpu.memory_space<hbm>>
        tpu.enqueue_indirect_dma source(%dma_start3A_130 : memref<30522x384xf32, #tpu.memory_space<hbm>>) target(%arg10 : memref<128x384xf32, #tpu.memory_space<vmem>>) offsets(%arg8 : memref<128xi32, #tpu.memory_space<vmem>>) semaphore(%arg12 : memref<!tpu.dma_semaphore, #tpu.memory_space<semaphore_mem>>)
      } else {
      }
      %dma_wait3A_103 = arith.constant 0 : i32
      %dma_wait3A_104 = arith.constant 0 : i32
      %dma_wait3A_105 = tpu.memref_slice %arg4[%dma_wait3A_103, %dma_wait3A_104] : memref<30522x384xf32, #tpu.memory_space<hbm>> -> memref<30522x384xf32, #tpu.memory_space<hbm>>
      tpu.wait_indirect_dma semaphore(%arg13 : memref<!tpu.dma_semaphore, #tpu.memory_space<semaphore_mem>>) src(%dma_wait3A_105 : memref<30522x384xf32, #tpu.memory_space<hbm>>) dst(%arg11 : memref<128x384xf32, #tpu.memory_space<vmem>>)
      %mul3A_106 = arith.constant 128 : i32
      %mul3A_107 = arith.muli %add3A_95, %mul3A_106 : i32
      %add3A_108 = arith.addi %mul3A_2, %mul3A_107 : i32
      %dma_start3A_109 = arith.constant 0 : i32
      %dma_start3A_110 = tpu.memref_slice %arg6[%add3A_108, %dma_start3A_109] : memref<393216x384xf32, #tpu.memory_space<hbm>> -> memref<128x384xf32, #tpu.memory_space<hbm>>
      %dma_start3A_111 = arith.constant 0 : i32
      %dma_start3A_112 = tpu.memref_slice %arg6[%add3A_108, %dma_start3A_111] : memref<393216x384xf32, #tpu.memory_space<hbm>> -> memref<128x384xf32, #tpu.memory_space<hbm>>
      tpu.enqueue_dma source(%arg11 : memref<128x384xf32, #tpu.memory_space<vmem>>) target(%dma_start3A_112 : memref<128x384xf32, #tpu.memory_space<hbm>>) target_semaphore(%arg15 : memref<!tpu.dma_semaphore, #tpu.memory_space<semaphore_mem>>)
      %add3A_113 = arith.constant 2 : i32
      %add3A_114 = arith.addi %add3A_95, %add3A_113 : i32
      %lt3A_115 = arith.constant 96 : i32
      %lt3A_116 = arith.cmpi slt, %add3A_114, %lt3A_115 : i32
      %convert_element_type3A_117 = arith.extui %lt3A_116 : i1 to i32
      %cond3A_118 = arith.constant 0 : i32
      %cond3A_119 = arith.cmpi ne, %convert_element_type3A_117, %cond3A_118 : i32
      scf.if %cond3A_119 {
        %add3A_120 = arith.constant 2 : i32
        %add3A_121 = arith.addi %add3A_95, %add3A_120 : i32
        %mul3A_122 = arith.constant 128 : i32
        %mul3A_123 = arith.muli %add3A_121, %mul3A_122 : i32
        %add3A_124 = arith.addi %mul3A_2, %mul3A_123 : i32
        %dma_start3A_125 = tpu.memref_slice %arg2[%add3A_124] : memref<393216xi32, #tpu.memory_space<hbm>> -> memref<128xi32, #tpu.memory_space<hbm>>
        %dma_start3A_126 = tpu.memref_slice %arg2[%add3A_124] : memref<393216xi32, #tpu.memory_space<hbm>> -> memref<128xi32, #tpu.memory_space<hbm>>
        tpu.enqueue_dma source(%dma_start3A_126 : memref<128xi32, #tpu.memory_space<hbm>>) target(%arg9 : memref<128xi32, #tpu.memory_space<vmem>>) target_semaphore(%arg17 : memref<!tpu.dma_semaphore, #tpu.memory_space<semaphore_mem>>)
      } else {
      }
    }
    %scan3A_19 = arith.constant 48 : i32
    %dma_wait3A_20 = arith.constant 0 : i32
    %dma_wait3A_21 = arith.constant 0 : i32
    %dma_wait3A_22 = tpu.memref_slice %arg6[%dma_wait3A_20, %dma_wait3A_21] : memref<393216x384xf32, #tpu.memory_space<hbm>> -> memref<128x384xf32, #tpu.memory_space<hbm>>
    %dma_wait3A_23 = arith.constant 0 : i32
    %dma_wait3A_24 = arith.constant 0 : i32
    %dma_wait3A_25 = tpu.memref_slice %arg6[%dma_wait3A_23, %dma_wait3A_24] : memref<393216x384xf32, #tpu.memory_space<hbm>> -> memref<128x384xf32, #tpu.memory_space<hbm>>
    tpu.wait_dma2 semaphore(%arg14 : memref<!tpu.dma_semaphore, #tpu.memory_space<semaphore_mem>>) src(%arg10 : memref<128x384xf32, #tpu.memory_space<vmem>>) dst(%dma_wait3A_25 : memref<128x384xf32, #tpu.memory_space<hbm>>)
    %dma_wait3A_26 = arith.constant 0 : i32
    %dma_wait3A_27 = arith.constant 0 : i32
    %dma_wait3A_28 = tpu.memref_slice %arg6[%dma_wait3A_26, %dma_wait3A_27] : memref<393216x384xf32, #tpu.memory_space<hbm>> -> memref<128x384xf32, #tpu.memory_space<hbm>>
    %dma_wait3A_29 = arith.constant 0 : i32
    %dma_wait3A_30 = arith.constant 0 : i32
    %dma_wait3A_31 = tpu.memref_slice %arg6[%dma_wait3A_29, %dma_wait3A_30] : memref<393216x384xf32, #tpu.memory_space<hbm>> -> memref<128x384xf32, #tpu.memory_space<hbm>>
    tpu.wait_dma2 semaphore(%arg15 : memref<!tpu.dma_semaphore, #tpu.memory_space<semaphore_mem>>) src(%arg11 : memref<128x384xf32, #tpu.memory_space<vmem>>) dst(%dma_wait3A_31 : memref<128x384xf32, #tpu.memory_space<hbm>>)
    %mul3A_32 = arith.constant 102400 : i32
    %mul3A_33 = arith.muli %add3A, %mul3A_32 : i32
    %add3A_34 = arith.constant 0 : i32
    %add3A_35 = arith.addi %mul3A_33, %add3A_34 : i32
    %dma_start3A_36 = tpu.memref_slice %arg3[%add3A_35] : memref<3276800xi32, #tpu.memory_space<hbm>> -> memref<128xi32, #tpu.memory_space<hbm>>
    %dma_start3A_37 = tpu.memref_slice %arg3[%add3A_35] : memref<3276800xi32, #tpu.memory_space<hbm>> -> memref<128xi32, #tpu.memory_space<hbm>>
    tpu.enqueue_dma source(%dma_start3A_37 : memref<128xi32, #tpu.memory_space<hbm>>) target(%arg8 : memref<128xi32, #tpu.memory_space<vmem>>) target_semaphore(%arg16 : memref<!tpu.dma_semaphore, #tpu.memory_space<semaphore_mem>>)
    %add3A_38 = arith.constant 128 : i32
    %add3A_39 = arith.addi %mul3A_33, %add3A_38 : i32
    %dma_start3A_40 = tpu.memref_slice %arg3[%add3A_39] : memref<3276800xi32, #tpu.memory_space<hbm>> -> memref<128xi32, #tpu.memory_space<hbm>>
    %dma_start3A_41 = tpu.memref_slice %arg3[%add3A_39] : memref<3276800xi32, #tpu.memory_space<hbm>> -> memref<128xi32, #tpu.memory_space<hbm>>
    tpu.enqueue_dma source(%dma_start3A_41 : memref<128xi32, #tpu.memory_space<hbm>>) target(%arg9 : memref<128xi32, #tpu.memory_space<vmem>>) target_semaphore(%arg17 : memref<!tpu.dma_semaphore, #tpu.memory_space<semaphore_mem>>)
    %dma_wait3A_42 = arith.constant 0 : i32
    %dma_wait3A_43 = tpu.memref_slice %arg3[%dma_wait3A_42] : memref<3276800xi32, #tpu.memory_space<hbm>> -> memref<128xi32, #tpu.memory_space<hbm>>
    %dma_wait3A_44 = arith.constant 0 : i32
    %dma_wait3A_45 = tpu.memref_slice %arg3[%dma_wait3A_44] : memref<3276800xi32, #tpu.memory_space<hbm>> -> memref<128xi32, #tpu.memory_space<hbm>>
    tpu.wait_dma2 semaphore(%arg16 : memref<!tpu.dma_semaphore, #tpu.memory_space<semaphore_mem>>) src(%dma_wait3A_45 : memref<128xi32, #tpu.memory_space<hbm>>) dst(%arg8 : memref<128xi32, #tpu.memory_space<vmem>>)
    %dma_start3A_46 = arith.constant 0 : i32
    %dma_start3A_47 = arith.constant 0 : i32
    %dma_start3A_48 = tpu.memref_slice %arg5[%dma_start3A_46, %dma_start3A_47] : memref<30522x384xf32, #tpu.memory_space<hbm>> -> memref<30522x384xf32, #tpu.memory_space<hbm>>
    tpu.enqueue_indirect_dma source(%dma_start3A_48 : memref<30522x384xf32, #tpu.memory_space<hbm>>) target(%arg10 : memref<128x384xf32, #tpu.memory_space<vmem>>) offsets(%arg8 : memref<128xi32, #tpu.memory_space<vmem>>) semaphore(%arg12 : memref<!tpu.dma_semaphore, #tpu.memory_space<semaphore_mem>>)
    %scan3A_49 = arith.constant 0 : i32
    %scan3A_50 = arith.constant 400 : i32
    %scan3A_51 = arith.addi %scan3A_49, %scan3A_50 : i32
    %scan3A_52 = arith.constant 1 : i32
    scf.for %scan3A_66 = %scan3A_49 to %scan3A_51 step %scan3A_52  : i32 {
      %mul3A_67 = arith.constant 2 : i32
      %mul3A_68 = arith.muli %scan3A_66, %mul3A_67 : i32
      %add3A_69 = arith.constant 0 : i32
      %add3A_70 = arith.addi %add3A_69, %mul3A_68 : i32
      %add3A_71 = arith.constant 0 : i32
      %add3A_72 = arith.addi %add3A_70, %add3A_71 : i32
      %add3A_73 = arith.constant 1 : i32
      %add3A_74 = arith.addi %add3A_72, %add3A_73 : i32
      %lt3A = arith.constant 800 : i32
      %lt3A_75 = arith.cmpi slt, %add3A_74, %lt3A : i32
      %convert_element_type3A = arith.extui %lt3A_75 : i1 to i32
      %cond3A = arith.constant 0 : i32
      %cond3A_76 = arith.cmpi ne, %convert_element_type3A, %cond3A : i32
      scf.if %cond3A_76 {
        %ge3A = arith.constant 1 : i32
        %ge3A_120 = arith.cmpi sge, %add3A_72, %ge3A : i32
        %convert_element_type3A_121 = arith.extui %ge3A_120 : i1 to i32
        %cond3A_122 = arith.constant 0 : i32
        %cond3A_123 = arith.cmpi ne, %convert_element_type3A_121, %cond3A_122 : i32
        scf.if %cond3A_123 {
          %dma_wait3A_131 = arith.constant 0 : i32
          %dma_wait3A_132 = arith.constant 0 : i32
          %dma_wait3A_133 = tpu.memref_slice %arg7[%dma_wait3A_131, %dma_wait3A_132] : memref<3276800x384xf32, #tpu.memory_space<hbm>> -> memref<128x384xf32, #tpu.memory_space<hbm>>
          %dma_wait3A_134 = arith.constant 0 : i32
          %dma_wait3A_135 = arith.constant 0 : i32
          %dma_wait3A_136 = tpu.memref_slice %arg7[%dma_wait3A_134, %dma_wait3A_135] : memref<3276800x384xf32, #tpu.memory_space<hbm>> -> memref<128x384xf32, #tpu.memory_space<hbm>>
          tpu.wait_dma2 semaphore(%arg15 : memref<!tpu.dma_semaphore, #tpu.memory_space<semaphore_mem>>) src(%arg11 : memref<128x384xf32, #tpu.memory_space<vmem>>) dst(%dma_wait3A_136 : memref<128x384xf32, #tpu.memory_space<hbm>>)
        } else {
        }
        %dma_wait3A_124 = arith.constant 0 : i32
        %dma_wait3A_125 = tpu.memref_slice %arg3[%dma_wait3A_124] : memref<3276800xi32, #tpu.memory_space<hbm>> -> memref<128xi32, #tpu.memory_space<hbm>>
        %dma_wait3A_126 = arith.constant 0 : i32
        %dma_wait3A_127 = tpu.memref_slice %arg3[%dma_wait3A_126] : memref<3276800xi32, #tpu.memory_space<hbm>> -> memref<128xi32, #tpu.memory_space<hbm>>
        tpu.wait_dma2 semaphore(%arg17 : memref<!tpu.dma_semaphore, #tpu.memory_space<semaphore_mem>>) src(%dma_wait3A_127 : memref<128xi32, #tpu.memory_space<hbm>>) dst(%arg9 : memref<128xi32, #tpu.memory_space<vmem>>)
        %dma_start3A_128 = arith.constant 0 : i32
        %dma_start3A_129 = arith.constant 0 : i32
        %dma_start3A_130 = tpu.memref_slice %arg5[%dma_start3A_128, %dma_start3A_129] : memref<30522x384xf32, #tpu.memory_space<hbm>> -> memref<30522x384xf32, #tpu.memory_space<hbm>>
        tpu.enqueue_indirect_dma source(%dma_start3A_130 : memref<30522x384xf32, #tpu.memory_space<hbm>>) target(%arg11 : memref<128x384xf32, #tpu.memory_space<vmem>>) offsets(%arg9 : memref<128xi32, #tpu.memory_space<vmem>>) semaphore(%arg13 : memref<!tpu.dma_semaphore, #tpu.memory_space<semaphore_mem>>)
      } else {
      }
      %dma_wait3A_77 = arith.constant 0 : i32
      %dma_wait3A_78 = arith.constant 0 : i32
      %dma_wait3A_79 = tpu.memref_slice %arg5[%dma_wait3A_77, %dma_wait3A_78] : memref<30522x384xf32, #tpu.memory_space<hbm>> -> memref<30522x384xf32, #tpu.memory_space<hbm>>
      tpu.wait_indirect_dma semaphore(%arg12 : memref<!tpu.dma_semaphore, #tpu.memory_space<semaphore_mem>>) src(%dma_wait3A_79 : memref<30522x384xf32, #tpu.memory_space<hbm>>) dst(%arg10 : memref<128x384xf32, #tpu.memory_space<vmem>>)
      %mul3A_80 = arith.constant 128 : i32
      %mul3A_81 = arith.muli %add3A_72, %mul3A_80 : i32
      %add3A_82 = arith.addi %mul3A_33, %mul3A_81 : i32
      %dma_start3A_83 = arith.constant 0 : i32
      %dma_start3A_84 = tpu.memref_slice %arg7[%add3A_82, %dma_start3A_83] : memref<3276800x384xf32, #tpu.memory_space<hbm>> -> memref<128x384xf32, #tpu.memory_space<hbm>>
      %dma_start3A_85 = arith.constant 0 : i32
      %dma_start3A_86 = tpu.memref_slice %arg7[%add3A_82, %dma_start3A_85] : memref<3276800x384xf32, #tpu.memory_space<hbm>> -> memref<128x384xf32, #tpu.memory_space<hbm>>
      tpu.enqueue_dma source(%arg10 : memref<128x384xf32, #tpu.memory_space<vmem>>) target(%dma_start3A_86 : memref<128x384xf32, #tpu.memory_space<hbm>>) target_semaphore(%arg14 : memref<!tpu.dma_semaphore, #tpu.memory_space<semaphore_mem>>)
      %add3A_87 = arith.constant 2 : i32
      %add3A_88 = arith.addi %add3A_72, %add3A_87 : i32
      %lt3A_89 = arith.constant 800 : i32
      %lt3A_90 = arith.cmpi slt, %add3A_88, %lt3A_89 : i32
      %convert_element_type3A_91 = arith.extui %lt3A_90 : i1 to i32
      %cond3A_92 = arith.constant 0 : i32
      %cond3A_93 = arith.cmpi ne, %convert_element_type3A_91, %cond3A_92 : i32
      scf.if %cond3A_93 {
        %add3A_120 = arith.constant 2 : i32
        %add3A_121 = arith.addi %add3A_72, %add3A_120 : i32
        %mul3A_122 = arith.constant 128 : i32
        %mul3A_123 = arith.muli %add3A_121, %mul3A_122 : i32
        %add3A_124 = arith.addi %mul3A_33, %mul3A_123 : i32
        %dma_start3A_125 = tpu.memref_slice %arg3[%add3A_124] : memref<3276800xi32, #tpu.memory_space<hbm>> -> memref<128xi32, #tpu.memory_space<hbm>>
        %dma_start3A_126 = tpu.memref_slice %arg3[%add3A_124] : memref<3276800xi32, #tpu.memory_space<hbm>> -> memref<128xi32, #tpu.memory_space<hbm>>
        tpu.enqueue_dma source(%dma_start3A_126 : memref<128xi32, #tpu.memory_space<hbm>>) target(%arg8 : memref<128xi32, #tpu.memory_space<vmem>>) target_semaphore(%arg16 : memref<!tpu.dma_semaphore, #tpu.memory_space<semaphore_mem>>)
      } else {
      }
      %add3A_94 = arith.constant 1 : i32
      %add3A_95 = arith.addi %add3A_70, %add3A_94 : i32
      %add3A_96 = arith.constant 1 : i32
      %add3A_97 = arith.addi %add3A_95, %add3A_96 : i32
      %lt3A_98 = arith.constant 800 : i32
      %lt3A_99 = arith.cmpi slt, %add3A_97, %lt3A_98 : i32
      %convert_element_type3A_100 = arith.extui %lt3A_99 : i1 to i32
      %cond3A_101 = arith.constant 0 : i32
      %cond3A_102 = arith.cmpi ne, %convert_element_type3A_100, %cond3A_101 : i32
      scf.if %cond3A_102 {
        %ge3A = arith.constant 1 : i32
        %ge3A_120 = arith.cmpi sge, %add3A_95, %ge3A : i32
        %convert_element_type3A_121 = arith.extui %ge3A_120 : i1 to i32
        %cond3A_122 = arith.constant 0 : i32
        %cond3A_123 = arith.cmpi ne, %convert_element_type3A_121, %cond3A_122 : i32
        scf.if %cond3A_123 {
          %dma_wait3A_131 = arith.constant 0 : i32
          %dma_wait3A_132 = arith.constant 0 : i32
          %dma_wait3A_133 = tpu.memref_slice %arg7[%dma_wait3A_131, %dma_wait3A_132] : memref<3276800x384xf32, #tpu.memory_space<hbm>> -> memref<128x384xf32, #tpu.memory_space<hbm>>
          %dma_wait3A_134 = arith.constant 0 : i32
          %dma_wait3A_135 = arith.constant 0 : i32
          %dma_wait3A_136 = tpu.memref_slice %arg7[%dma_wait3A_134, %dma_wait3A_135] : memref<3276800x384xf32, #tpu.memory_space<hbm>> -> memref<128x384xf32, #tpu.memory_space<hbm>>
          tpu.wait_dma2 semaphore(%arg14 : memref<!tpu.dma_semaphore, #tpu.memory_space<semaphore_mem>>) src(%arg10 : memref<128x384xf32, #tpu.memory_space<vmem>>) dst(%dma_wait3A_136 : memref<128x384xf32, #tpu.memory_space<hbm>>)
        } else {
        }
        %dma_wait3A_124 = arith.constant 0 : i32
        %dma_wait3A_125 = tpu.memref_slice %arg3[%dma_wait3A_124] : memref<3276800xi32, #tpu.memory_space<hbm>> -> memref<128xi32, #tpu.memory_space<hbm>>
        %dma_wait3A_126 = arith.constant 0 : i32
        %dma_wait3A_127 = tpu.memref_slice %arg3[%dma_wait3A_126] : memref<3276800xi32, #tpu.memory_space<hbm>> -> memref<128xi32, #tpu.memory_space<hbm>>
        tpu.wait_dma2 semaphore(%arg16 : memref<!tpu.dma_semaphore, #tpu.memory_space<semaphore_mem>>) src(%dma_wait3A_127 : memref<128xi32, #tpu.memory_space<hbm>>) dst(%arg8 : memref<128xi32, #tpu.memory_space<vmem>>)
        %dma_start3A_128 = arith.constant 0 : i32
        %dma_start3A_129 = arith.constant 0 : i32
        %dma_start3A_130 = tpu.memref_slice %arg5[%dma_start3A_128, %dma_start3A_129] : memref<30522x384xf32, #tpu.memory_space<hbm>> -> memref<30522x384xf32, #tpu.memory_space<hbm>>
        tpu.enqueue_indirect_dma source(%dma_start3A_130 : memref<30522x384xf32, #tpu.memory_space<hbm>>) target(%arg10 : memref<128x384xf32, #tpu.memory_space<vmem>>) offsets(%arg8 : memref<128xi32, #tpu.memory_space<vmem>>) semaphore(%arg12 : memref<!tpu.dma_semaphore, #tpu.memory_space<semaphore_mem>>)
      } else {
      }
      %dma_wait3A_103 = arith.constant 0 : i32
      %dma_wait3A_104 = arith.constant 0 : i32
      %dma_wait3A_105 = tpu.memref_slice %arg5[%dma_wait3A_103, %dma_wait3A_104] : memref<30522x384xf32, #tpu.memory_space<hbm>> -> memref<30522x384xf32, #tpu.memory_space<hbm>>
      tpu.wait_indirect_dma semaphore(%arg13 : memref<!tpu.dma_semaphore, #tpu.memory_space<semaphore_mem>>) src(%dma_wait3A_105 : memref<30522x384xf32, #tpu.memory_space<hbm>>) dst(%arg11 : memref<128x384xf32, #tpu.memory_space<vmem>>)
      %mul3A_106 = arith.constant 128 : i32
      %mul3A_107 = arith.muli %add3A_95, %mul3A_106 : i32
      %add3A_108 = arith.addi %mul3A_33, %mul3A_107 : i32
      %dma_start3A_109 = arith.constant 0 : i32
      %dma_start3A_110 = tpu.memref_slice %arg7[%add3A_108, %dma_start3A_109] : memref<3276800x384xf32, #tpu.memory_space<hbm>> -> memref<128x384xf32, #tpu.memory_space<hbm>>
      %dma_start3A_111 = arith.constant 0 : i32
      %dma_start3A_112 = tpu.memref_slice %arg7[%add3A_108, %dma_start3A_111] : memref<3276800x384xf32, #tpu.memory_space<hbm>> -> memref<128x384xf32, #tpu.memory_space<hbm>>
      tpu.enqueue_dma source(%arg11 : memref<128x384xf32, #tpu.memory_space<vmem>>) target(%dma_start3A_112 : memref<128x384xf32, #tpu.memory_space<hbm>>) target_semaphore(%arg15 : memref<!tpu.dma_semaphore, #tpu.memory_space<semaphore_mem>>)
      %add3A_113 = arith.constant 2 : i32
      %add3A_114 = arith.addi %add3A_95, %add3A_113 : i32
      %lt3A_115 = arith.constant 800 : i32
      %lt3A_116 = arith.cmpi slt, %add3A_114, %lt3A_115 : i32
      %convert_element_type3A_117 = arith.extui %lt3A_116 : i1 to i32
      %cond3A_118 = arith.constant 0 : i32
      %cond3A_119 = arith.cmpi ne, %convert_element_type3A_117, %cond3A_118 : i32
      scf.if %cond3A_119 {
        %add3A_120 = arith.constant 2 : i32
        %add3A_121 = arith.addi %add3A_95, %add3A_120 : i32
        %mul3A_122 = arith.constant 128 : i32
        %mul3A_123 = arith.muli %add3A_121, %mul3A_122 : i32
        %add3A_124 = arith.addi %mul3A_33, %mul3A_123 : i32
        %dma_start3A_125 = tpu.memref_slice %arg3[%add3A_124] : memref<3276800xi32, #tpu.memory_space<hbm>> -> memref<128xi32, #tpu.memory_space<hbm>>
        %dma_start3A_126 = tpu.memref_slice %arg3[%add3A_124] : memref<3276800xi32, #tpu.memory_space<hbm>> -> memref<128xi32, #tpu.memory_space<hbm>>
        tpu.enqueue_dma source(%dma_start3A_126 : memref<128xi32, #tpu.memory_space<hbm>>) target(%arg9 : memref<128xi32, #tpu.memory_space<vmem>>) target_semaphore(%arg17 : memref<!tpu.dma_semaphore, #tpu.memory_space<semaphore_mem>>)
      } else {
      }
    }
    %scan3A_53 = arith.constant 400 : i32
    %dma_wait3A_54 = arith.constant 0 : i32
    %dma_wait3A_55 = arith.constant 0 : i32
    %dma_wait3A_56 = tpu.memref_slice %arg7[%dma_wait3A_54, %dma_wait3A_55] : memref<3276800x384xf32, #tpu.memory_space<hbm>> -> memref<128x384xf32, #tpu.memory_space<hbm>>
    %dma_wait3A_57 = arith.constant 0 : i32
    %dma_wait3A_58 = arith.constant 0 : i32
    %dma_wait3A_59 = tpu.memref_slice %arg7[%dma_wait3A_57, %dma_wait3A_58] : memref<3276800x384xf32, #tpu.memory_space<hbm>> -> memref<128x384xf32, #tpu.memory_space<hbm>>
    tpu.wait_dma2 semaphore(%arg14 : memref<!tpu.dma_semaphore, #tpu.memory_space<semaphore_mem>>) src(%arg10 : memref<128x384xf32, #tpu.memory_space<vmem>>) dst(%dma_wait3A_59 : memref<128x384xf32, #tpu.memory_space<hbm>>)
    %dma_wait3A_60 = arith.constant 0 : i32
    %dma_wait3A_61 = arith.constant 0 : i32
    %dma_wait3A_62 = tpu.memref_slice %arg7[%dma_wait3A_60, %dma_wait3A_61] : memref<3276800x384xf32, #tpu.memory_space<hbm>> -> memref<128x384xf32, #tpu.memory_space<hbm>>
    %dma_wait3A_63 = arith.constant 0 : i32
    %dma_wait3A_64 = arith.constant 0 : i32
    %dma_wait3A_65 = tpu.memref_slice %arg7[%dma_wait3A_63, %dma_wait3A_64] : memref<3276800x384xf32, #tpu.memory_space<hbm>> -> memref<128x384xf32, #tpu.memory_space<hbm>>
    tpu.wait_dma2 semaphore(%arg15 : memref<!tpu.dma_semaphore, #tpu.memory_space<semaphore_mem>>) src(%arg11 : memref<128x384xf32, #tpu.memory_space<vmem>>) dst(%dma_wait3A_65 : memref<128x384xf32, #tpu.memory_space<hbm>>)
    return
  }
}

</mosaic_0001>

<sc_bundles>
// kernel: kernel.3.cloned.1.call-start
scs
__scs_entry_jumppad:
0x0: {  	(pc) =	sbr.rel $0x88, $3  }
0x1: {  	(tag) =	ssettag $0x0;
	lr =	simm.s32 $0x1  }
0x2: {  	[smem:$0x3F9D] =	sst lr;
	_ =	strace $0xD0000000  }
0x3: {  	_ = 	snop  }
0x4: {  	_ = 	snop  }
0x5: {  	_ = 	snop  }
0x6: {  	_ = 	snop  }
0x7: {  	_ = 	snop  }
__scs_overlays_trampoline_lowered:
0x8: {  	[smem:$0x3FAC] =	sst s0  }
0x9: {  	[smem:$0x3FAD] =	sst s1  }
0xa: {  	[smem:$0x3FAE] =	sst s2  }
0xb: {  	[smem:$0x3FAF] =	sst s3  }
0xc: {  	[smem:$0x3FB0] =	sst s4  }
0xd: {  	[smem:$0x3FB1] =	sst s5  }
0xe: {  	[smem:$0x3FB2] =	sst s6  }
0xf: {  	[smem:$0x3FB3] =	sst s7  }
0x10: {  	[smem:$0x3FB4] =	sst s8  }
0x11: {  	[smem:$0x3FB5] =	sst s9;
	s0 =	simm.s32 @!p0 $0x0  }
0x12: {  	s1 =	sld [smem:$0x3F9B];
	s0 =	simm.s32 @p0 $0x1  }
0x13: {  	[smem:$0x3FB6] =	sst s0;
	s0 =	simm.s32 @!p1 $0x0  }
0x14: {  	s2 =	sld [smem:$0x3F9A];
	s0 =	simm.s32 @p1 $0x1  }
0x15: {  	[smem:$0x3FB7] =	sst s0;
	s0 =	simm.s32 @!p2 $0x0  }
0x16: {  	s3 =	sld [smem:$0x3FDB];
	s0 =	simm.s32 @p2 $0x1  }
0x17: {  	s4 =	simm.s32 $0x1BF5;
	[smem:$0x3FB9] =	sst s0  }
0x18: {  	s0 =	sld [smem:$0x3F9C];
	_ =	swait.ge [sflag:s4], $0x0  }
0x19: {  	s7 =	sld [smem:$0x3F9D]  }
0x1a: {  	s8 =	sadd.s32 $0xFFFFE003, lr  }
0x1b: {  	s9 =	sadd.s32 $0xFFFFFEF7, lr;
	s5 =	simm.s32 $0xFFFFFFFF;
	p2 =	slt.u32 s8, $0xFFFFF086  }
0x1c: {  	p1 =	slt.u32 s9, $0xF7A;
	s5 =	simm.s32 @!p2 $0x0  }
0x1d: {  	s5 =	simm.s32 @p1 $0x1;
	p0 =	seq.s32 s7, s2  }
0x1e: {  	s7 =	smul.u32 @!p0 $0xF7A, s2;
	p2 =	seq.s32 @!p0 s5, $0x0  }
0x1f: {  	s9 =	smul.u32 $0xF7A, s1;
	s8 =	simm.s32 @!p0 $0x1BF5;
	p2 =	por !p2, p0  }
0x20: {  	[sflag:s8] =	ssyncset.s32 @!p0 $0xFFFFF086;
	s6 =	sadd.s32 @!p0 s3, s7;
	s7 =	simm.s32 @!p0 $0x108  }
0x21: {  	s3 =	sadd.s32 s3, s9;
	s6 =	sadd.s32 @!p0 $0x88, s6;
	s7 =	simm.s32 @p2 $0x1082  }
0x22: {  	[simem:s7], [sflag:s8] =	dma.local @!p0 [hbm:s6], $0xF7A  }
0x23: {  	s9 =	sor.u32 $0xD0000000, s2;
	s6 =	simm.s32 $0x108;
	_ =	swait.ge @!p0 [sflag:s8], $0x0  }
0x24: {  	s3 =	sadd.s32 $0x88, s3;
	s6 =	simm.s32 @!p1 $0x1082;
	[sflag:s4] =	ssyncset.s32 $0xFFFFF086  }
0x25: {  	[simem:s6], [sflag:s4] =	dma.local [hbm:s3], $0xF7A  }
0x26: {  	[smem:$0x3F9D] =	sst s1;
	(tag) =	ssettag s2;
	_ =	strace s9  }
0x27: {  	s1 =	sld [smem:$0x3FAD]  }
0x28: {  	s2 =	sld [smem:$0x3FAE]  }
0x29: {  	s4 =	sld [smem:$0x3FB0]  }
0x2a: {  	p0 =	seq.s32 s5, $0x0;
	s5 =	sld [smem:$0x3FB1]  }
0x2b: {  	s6 =	sld [smem:$0x3FB2]  }
0x2c: {  	s7 =	sld [smem:$0x3FB3]  }
0x2d: {  	s3 =	simm.s32 $0x108;
	s8 =	sld [smem:$0x3FB4]  }
0x2e: {  	s3 =	simm.s32 @!p0 $0x1082;
	s9 =	sld [smem:$0x3FB5]  }
0x2f: {  	lr =	sadd.s32 s0, s3;
	s0 =	sld [smem:$0x3FAC]  }
0x30: {  	s3 =	sld [smem:$0x3FAF]  }
0x31: {  	[smem:$0x3FB8] =	sst s10  }
0x32: {  	s10 =	sld [smem:$0x3FB6];
	_ =	sdelay $0x3  }
0x33: {  	p0 =	seq.s32 s10, $0x1;
	s10 =	sld [smem:$0x3FB8];
	_ =	sdelay $0x3  }
0x34: {  	[smem:$0x3FB8] =	sst s10  }
0x35: {  	s10 =	sld [smem:$0x3FB7];
	_ =	sdelay $0x3  }
0x36: {  	p1 =	seq.s32 s10, $0x1;
	s10 =	sld [smem:$0x3FB8];
	_ =	sdelay $0x3  }
0x37: {  	[smem:$0x3FB8] =	sst s10  }
0x38: {  	s10 =	sld [smem:$0x3FB9]  }
0x39: {  	_ = 	snop;
	(pc) =	sbr.ind lr, $3  }
0x3a: {  	_ = 	snop  }
0x3b: {  	_ = 	snop  }
0x3c: {  	p2 =	seq.s32 s10, $0x1;
	s10 =	sld [smem:$0x3FB8]  }
0x3d: {  	_ =	shalt  }
0x3e: {  	_ =	shalt  }
0x3f: {  	_ =	shalt  }
0x40: {  	_ =	shalt  }
0x41: {  	_ =	shalt  }
0x42: {  	_ =	shalt  }
0x43: {  	_ =	shalt  }
0x44: {  	_ =	shalt  }
0x45: {  	_ =	shalt  }
0x46: {  	_ =	shalt  }
0x47: {  	_ =	shalt  }
0x48: {  	_ =	shalt  }
0x49: {  	_ =	shalt  }
0x4a: {  	_ =	shalt  }
0x4b: {  	_ =	shalt  }
0x4c: {  	_ =	shalt  }
0x4d: {  	_ =	shalt  }
0x4e: {  	_ =	shalt  }
0x4f: {  	_ =	shalt  }
0x50: {  	_ =	shalt  }
0x51: {  	_ =	shalt  }
0x52: {  	_ =	shalt  }
0x53: {  	_ =	shalt  }
0x54: {  	_ =	shalt  }
0x55: {  	_ =	shalt  }
0x56: {  	_ =	shalt  }
0x57: {  	_ =	shalt  }
0x58: {  	_ =	shalt  }
0x59: {  	_ =	shalt  }
0x5a: {  	_ =	shalt  }
0x5b: {  	_ =	shalt  }
0x5c: {  	_ =	shalt  }
0x5d: {  	_ =	shalt  }
0x5e: {  	_ =	shalt  }
0x5f: {  	_ =	shalt  }
0x60: {  	_ =	shalt  }
0x61: {  	_ =	shalt  }
0x62: {  	_ =	shalt  }
0x63: {  	_ =	shalt  }
0x64: {  	_ =	shalt  }
0x65: {  	_ =	shalt  }
0x66: {  	_ =	shalt  }
0x67: {  	_ =	shalt  }
0x68: {  	_ =	shalt  }
0x69: {  	_ =	shalt  }
0x6a: {  	_ =	shalt  }
0x6b: {  	_ =	shalt  }
0x6c: {  	_ =	shalt  }
0x6d: {  	_ =	shalt  }
0x6e: {  	_ =	shalt  }
0x6f: {  	_ =	shalt  }
0x70: {  	_ =	shalt  }
0x71: {  	_ =	shalt  }
0x72: {  	_ =	shalt  }
0x73: {  	_ =	shalt  }
0x74: {  	_ =	shalt  }
0x75: {  	_ =	shalt  }
0x76: {  	_ =	shalt  }
0x77: {  	_ =	shalt  }
0x78: {  	_ =	shalt  }
0x79: {  	_ =	shalt  }
0x7a: {  	_ =	shalt  }
0x7b: {  	_ =	shalt  }
0x7c: {  	_ =	shalt  }
0x7d: {  	_ =	shalt  }
0x7e: {  	_ =	shalt  }
0x7f: {  	_ =	shalt  }
0x80: {  	_ =	shalt  }
0x81: {  	_ =	shalt  }
0x82: {  	_ =	shalt  }
0x83: {  	_ =	shalt  }
0x84: {  	_ =	shalt  }
0x85: {  	_ =	shalt  }
0x86: {  	_ =	shalt  }
0x87: {  	_ =	shalt  }
.Lfunc_end0:
.L_simem_size_0:
called_computation.2_lowered:
.L_overlay_start_0:
0x88: {  	s2 =	sld [smem:$0x3FD9]  }
0x89: {  	s3 =	sld [smem:$0x3FFE];
	_ =	sdelay $0x1  }
0x8a: {  	s1 =	srdreg.scid  }
0x8b: {  	s0 =	sand.u32 $0x1, s1  }
0x8c: {  	s14 =	sshll.u32 s0, $0xA;
	s2 =	sadd.s32 s3, s2  }
0x8d: {  	s2 =	sadd.s32 s2, s14  }
0x8e: {  	[smem:$0x3FC4] =	sst s2  }
0x8f: {  	_ = 	snop  }
0x90: {  	s2 =	sld [smem:$0x3FD0];
	_ =	sdelay $0x2  }
0x91: {  	s15 =	simm.s32 $0xB;
	s4 =	simm.s32 $0x10  }
0x92: {  	[smem:s4], [sflag:s15] =	dma.local [hbm:s2], $0x1  }
0x93: {  	_ =	swait.eq [sflag:s15], $0x1  }
0x94: {  	[sflag:s15] =	ssyncset.done $0x0  }
0x95: {  	s16 =	sld [smem:$0x10];
	[sflag:s15] =	ssyncadd.s32 $0xFFFFFFFF  }
0x96: {  	s17 =	sld [smem:$0x11];
	(tm) =	ssettm $0x1  }
0x97: {  	s18 =	sld [smem:$0x3FFB];
	_ =	sdelay $0x3  }
0x98: {  	_ =	strace s18  }
0x99: {  	s4 =	sld [smem:$0x3FFC];
	_ =	sdelay $0x3  }
0x9a: {  	_ =	strace s4  }
0x9b: {  	s4 =	sld [smem:$0x3FFD];
	_ =	sdelay $0x3  }
0x9c: {  	_ =	strace s4  }
0x9d: {  	_ =	strace $0x8FFFFFFF  }
0x9e: {  	s19 =	sld [smem:$0x3FDB];
	_ =	sdelay $0x1  }
0x9f: {  	s5 =	simm.s32 $_scs_section_size  }
0xa0: {  	s6 =	simm.s32 $_size__tile_overlayer_lowered;
	s7 =	simm.s32 $_tile_overlayer_lowered  }
0xa1: {  	s22 =	simm.s32 $0x1BFF;
	s21 =	sshll.u32 s7, $0x1;
	s4 =	sadd.s32 s5, s19  }
0xa2: {  	s8 =	simm.s32 $0x0;
	s20 =	sshll.u32 s6, $0x1;
	s6 =	sadd.s32 s21, s4  }
0xa3: {  	[timem:s8], [sflag:s22] =	dma.local [hbm:s6], s20  }
0xa4: {  	_ =	swait.ge [sflag:s22], s20  }
0xa5: {  	s5 =	ssub.s32 $0x0, s20;
	[sflag:s22] =	ssyncset.done $0x0  }
0xa6: {  	[sflag:s22] =	ssyncadd.s32 s5;
	_ =	sdelay $0x1  }
0xa7: {  	s23 =	simm.s32 $0x1B8B  }
0xa8: {  	_ =	swait.ge [sflag:s23], $0x1  }
0xa9: {  	[sflag:s23] =	ssyncset.done $0x0  }
0xaa: {  	s25 =	simm.s32 $0x1B8E;
	s24 =	sld [smem:$0x3FFE];
	[sflag:s23] =	ssyncadd.s32 $0xFFFFFFFF  }
0xab: {  	s26 =	simm.s32 $execute0_lowered;
	[smem:$0x3FD2] =	sst s25  }
0xac: {  	s6 =	sshll.u32 s26, $0x1;
	_ =	strace $0x80000046;
	[dreg:$0x1] =	wrdreg $0xFFFFFFFF  }
0xad: {  	s28 =	simm.s32 $_size_execute0_lowered;
	s4 =	sadd.s32 s4, s6;
	[dreg:$0x0] =	wrdreg $0x0  }
0xae: {  	s6 =	sshll.u32 s28, $0x1;
	[dreg:$0x2] =	wrdreg s4  }
0xaf: {  	[dreg:$0x3] =	wrdreg s6  }
0xb0: {  	[dreg:$0x4] =	wrdreg $0xC0  }
0xb1: {  	_ =	task [dreg:s8], $0x5FFFF  }
0xb2: {  	[dreg:$0x1] =	wrdreg $0xFFFFFFFF  }
0xb3: {  	[dreg:$0x0] =	wrdreg $0x60  }
0xb4: {  	[dreg:$0x2] =	wrdreg s24  }
0xb5: {  	[dreg:$0x3] =	wrdreg s17  }
0xb6: {  	[dreg:$0x4] =	wrdreg s16  }
0xb7: {  	[dreg:$0x5] =	wrdreg $0x9  }
0xb8: {  	_ =	task.clear_ibuf [dreg:s8], $0x6FFFF;
	_ =	strace $0x90000046  }
0xb9: {  	s29 =	simm.s32 $0x9;
	_ =	strace $0x80000048  }
0xba: {  	_ =	swait.ge [sflag:s29], $0x1  }
0xbb: {  	[sflag:s29] =	ssyncadd.s32 $0xFFFFFFFF  }
0xbc: {  	_ =	strace $0x90000048  }
0xbd: {  	_ =	sfence  }
0xbe: {  	s30 =	sld [smem:$0x0];
	_ =	sdelay $0x2  }
0xbf: {  	s31 =	sshll.u32 s1, $0xD;
	s1 =	sshrl.u32 s1, $0x2  }
0xc0: {  	s3 =	sand.u32 $0x4000, s31;
	s1 =	sadd.s32 s1, s30  }
0xc1: {  	s0 =	sor.u32 s3, s0;
	s1 =	sshll.u32 s1, $0x11  }
0xc2: {  	s0 =	sor.u32 s1, s0  }
0xc3: {  	s0 =	sadd.s32 $0x8F2B, s0  }
0xc4: {  	[sflag:s0] =	ssyncadd.remote.s32 $0x1  }
0xc5: {  	_ =	sfence.sel $0xFFFF  }
0xc6: {  	[dreg:$0x0] =	wrdreg $0xFFFFFFFF;
	(pc) =	sbr.abs _section_cstart, $3  }
0xc7: {  	[dreg:$0x1] =	wrdreg $0xFFFFFFFF  }
0xc8: {  	_ =	task.clear_ibuf [dreg:s8], $0x2FFFF;
	_ =	strace $0x9FFFFFFF  }
0xc9: {  	(tm) =	ssettm $0x7FFFFFFF  }
tec
execute0_lowered:
.L_overlay_start_1:
0x0: {  	(tag) =	ssettag $0x1  }
0x1: {  	s0 =	rddreg [dreg:$0x0]  }
0x2: {  	s2 =	rddreg [dreg:$0x1]  }
0x3: {  	s1 =	srdreg.scid;
	s15 =	stileid.u32  }
0x4: {  	s3 =	rddreg [dreg:$0x2];
	s4 =	simm.s32 $0x0;
	s29 =	simm.s32 $0x0  }
0x5: {  	s1 =	sand.u32 $0x1, s1;
	s5 =	sshll.u32 s15, $0x1;
	s7 =	smul.u32 $0x6000, s15  }
0x6: {  	[smem:$0x7FF] =	sst s4;
	s8 =	sadd.s32 $0x1200, s0;
	s19 =	smul.u32 $0x32000, s15  }
0x7: {  	s9 =	sadd.s32 $0xD200, s0;
	s11 =	sadd.s32 $0x71200, s0;
	s10 =	smul.u32 $0x3000, s1  }
0x8: {  	s5 =	sor.u32 s1, s5;
	s12 =	ssub.s32 $0x2, s1;
	s1 =	smul.u32 $0x19000, s1  }
0x9: {  	s0 =	sadd.s32 $0x1271200, s0;
	s15 =	simm.s32 $0x16500;
	s6 =	smul.u32 $0x3000, s5  }
0xa: {  	_ =	strace $0x80000047;
	s13 =	sshrl.u32 s12, $0x1;
	s5 =	smul.u32 $0x19000, s5  }
0xb: {  	s14 =	sadd.s32 s10, s7;
	s12 =	ssub.s32 s12, s13;
	s1 =	sadd.s32 s1, s19  }
0xc: {  	s13 =	simm.s32 $0x15900;
	s19 =	simm.s32 $0x17100;
	s6 =	sshrl.u32 s6, $0x3  }
0xd: {  	s16 =	sor.u32 $0x80, s14;
	s5 =	sshrl.u32 s5, $0x3;
	s18 =	sor.u32 $0x180, s14  }
0xe: {  	s12 =	smax.u32 s12, $0x1;
	s21 =	sor.u32 $0x100, s14;
	s22 =	sshrl.u32 s14, $0x3  }
0xf: {  	s23 =	sor.u32 $0x80, s1;
	s26 =	sor.u32 $0x180, s1;
	s28 =	sshrl.u32 s1, $0x3  }
0x10: {  	s1 =	sor.u32 $0x100, s1;
	s14 =	simm.s32 $0x17500;
	s10 =	sadd.s32 s8, s6  }
0x11: {  	s6 =	sshrl.u32 s16, $0x3;
	s17 =	sadd.s32 s9, s5;
	s5 =	sshrl.u32 s18, $0x3  }
0x12: {  	[dreg:$0x8] =	wrdreg s12;
	s24 =	smul.u32 $0x180, s22;
	s25 =	sshrl.u32 s23, $0x3  }
0x13: {  	s12 =	smul.u32 $0x180, s28;
	s1 =	sshrl.u32 s1, $0x3;
	s22 =	simm.s32 $0x100  }
0x14: {  	s16 =	simm.s32 $0x14100;
	s18 =	simm.s32 $0x17D00;
	[dreg:$0x4] =	wrdreg s10  }
0x15: {  	s23 =	simm.s32 $0x1;
	s7 =	sadd.s32 $0x10, s10;
	[dreg:$0x6] =	wrdreg s17  }
0x16: {  	s6 =	smul.u32 $0x180, s6;
	s10 =	sadd.s32 $0x10, s17;
	[dreg:$0x5] =	wrdreg s7  }
0x17: {  	s5 =	sadd.s32 s5, s8;
	s1 =	sadd.s32 s1, s9;
	[dreg:$0x7] =	wrdreg s10  }
0x18: {  	s17 =	simm.s32 $0x16900;
	s7 =	sadd.s32 $0x100, s2;
	[dreg:$0x9] =	wrdreg s5  }
0x19: {  	s10 =	sadd.s32 $0x100, s3;
	s5 =	sshrl.u32 s21, $0x3;
	[dreg:$0xf] =	wrdreg s1  }
0x1a: {  	s21 =	simm.s32 $0x5;
	s1 =	simm.s32 $0x12D00;
	s20 =	sadd.s32 s6, s11  }
0x1b: {  	s5 =	sadd.s32 s5, s8;
	s6 =	smul.u32 $0x180, s25;
	[dreg:$0xa] =	wrdreg s20  }
0x1c: {  	s8 =	sshrl.u32 s26, $0x3;
	s25 =	simm.s32 $0x3;
	[dreg:$0xb] =	wrdreg s5  }
0x1d: {  	s5 =	sadd.s32 s24, s11;
	s30 =	sadd.s32 s8, s9;
	s9 =	simm.s32 $0xC100  }
.Ltmp0:
0x1e: {  	s20 =	simm.s32 $0x14500;
	s11 =	simm.s32 $0x14D00;
	(pc) =	sbr.rel .LBB2_1-.Ltmp0, $4  }
0x1f: {  	s8 =	simm.s32 $0x15D00;
	s24 =	simm.s32 $0x2;
	[dreg:$0xc] =	wrdreg s5  }
0x20: {  	v2 =	vlaneseq.u32;
	[dreg:$0xd] =	wrdreg s30;
	s31 =	sadd.s32 s6, s0;
	s0 =	sadd.s32 s12, s0  }
0x21: {  	vm0 =	vmmov $0xffff;
	vm1 =	vmmov $0xff;
	v1 =	vshrl.u32 v2, $0x3;
	s6 =	simm.s32 $0x6;
	s12 =	simm.s32 $0x13900;
	[dreg:$0xe] =	wrdreg s31  }
0x22: {  	v0 =	vand.u32 $0x7, v2;
	v2 =	vor.u32 $0x8, v2;
	v1 =	vmul.u32 $0x8, v1;
	s5 =	simm.s32 $0x15100;
	[dreg:$0x10] =	wrdreg s0;
	s0 =	simm.s32 $0x13500  }
.LBB2_11:
0x23: {  	_ =	swait.ge [sflag:s25], $0xC000  }
0x24: {  	[sflag:s25] =	ssyncset.done $0x0  }
0x25: {  	s28 =	simm.s32 $0x4;
	[sflag:s25] =	ssyncadd.s32 $0xFFFF4000  }
0x26: {  	_ =	swait.ge [sflag:s28], $0xC000  }
0x27: {  	s29 =	rddreg [dreg:$0x11]  }
0x28: {  	s26 =	rddreg [dreg:$0x8];
	s29 =	sadd.s32 $0x1, s29  }
0x29: {  	p0 =	sne.s32 s29, s26  }
.Ltmp1:
0x2a: {  	_ = 	snop;
	(pc) =	sbr.rel @!p0 .LBB2_12-.Ltmp1, $3  }
0x2b: {  	_ =	sdelay $0x1  }
0x2c: {  	[sflag:s28] =	ssyncset.done $0x0  }
0x2d: {  	[sflag:s28] =	ssyncadd.s32 $0xFFFF4000  }
.LBB2_1:
0x2e: {  	[dreg:$0x11] =	wrdreg s29  }
0x2f: {  	s26 =	rddreg [dreg:$0x4]  }
0x30: {  	[tilespmem:s4], [sflag:$0x5] =	stream.linear.gather [hbm4b:s26+s4], $0x80, $0x38;
	[tilespmem:$0x18100] =	vst v63  }
0x31: {  	s30 =	rddreg [dreg:$0x5];
	s28 =	simm.s32 $0x80  }
0x32: {  	[tilespmem:s28], [sflag:$0x6] =	stream.linear.gather [hbm4b:s30+s4], $0x80, $0x38;
	[tilespmem:$0x18100] =	vst v63  }
0x33: {  	_ =	swait.ge [sflag:s21], $0x80  }
0x34: {  	[sflag:s21] =	ssyncset.done $0x0  }
0x35: {  	[sflag:s21] =	ssyncadd.s32 $0xFFFFFF80  }
0x36: {  	v3 =	vld [tilespmem:$0x0];
	_ =	sdelay $0x4  }
0x37: {  	v4 =	vshrl.u32 v3, $0x3  }
0x38: {  	v4 =	vmul.u32 $0x18, v4  }
0x39: {  	v3 =	vand.u32 $0x7, v3  }
0x3a: {  	v3 =	vor.u32 v3, v4  }
0x3b: {  	v4 =	vperm.xlane v3, v0;
	_ =	sdelay $0x1  }
0x3c: {  	v4 =	vadd.s32 v1, v4;
	_ =	sdelay $0x1  }
0x3d: {  	v3 =	vperm.xlane v3, v2;
	_ =	sdelay $0x1  }
0x3e: {  	v3 =	vadd.s32 v1, v3  }
0x3f: {  	[tilespmem:s22], [sflag:$0x1] =	stream.indirect_vreg.gather [hbm4b:s2+s4], $0x80, v4, vm0, $0xb8;
	[tilespmem:$0x18100] =	vst v63  }
0x40: {  	s31 =	simm.s32 $0x900  }
0x41: {  	[tilespmem:s31], [sflag:$0x1] =	stream.indirect_vreg.gather [hbm4b:s7+s4], $0x80, v4, vm1, $0xb8;
	[tilespmem:$0x18100] =	vst v63  }
0x42: {  	s30 =	simm.s32 $0xD00  }
0x43: {  	[tilespmem:s30], [sflag:$0x1] =	stream.indirect_vreg.gather [hbm4b:s2+s4], $0x80, v3, vm0, $0xb8;
	[tilespmem:$0x18100] =	vst v63  }
0x44: {  	s31 =	simm.s32 $0x1500  }
0x45: {  	[tilespmem:s31], [sflag:$0x1] =	stream.indirect_vreg.gather [hbm4b:s7+s4], $0x80, v3, vm1, $0xb8;
	[tilespmem:$0x18100] =	vst v63  }
0x46: {  	v3 =	vld [tilespmem:$0x10];
	_ =	sdelay $0x4  }
0x47: {  	v57 =	vshrl.u32 v3, $0x3  }
0x48: {  	v4 =	vmul.u32 $0x18, v57  }
0x49: {  	v3 =	vand.u32 $0x7, v3  }
0x4a: {  	v3 =	vor.u32 v3, v4  }
0x4b: {  	v4 =	vperm.xlane v3, v0;
	_ =	sdelay $0x1  }
0x4c: {  	v4 =	vadd.s32 v1, v4;
	_ =	sdelay $0x1  }
0x4d: {  	v3 =	vperm.xlane v3, v2;
	_ =	sdelay $0x1  }
0x4e: {  	s30 =	simm.s32 $0x1900;
	v3 =	vadd.s32 v1, v3  }
0x4f: {  	[tilespmem:s30], [sflag:$0x1] =	stream.indirect_vreg.gather [hbm4b:s2+s4], $0x80, v4, vm0, $0xb8;
	[tilespmem:$0x18100] =	vst v63  }
0x50: {  	s31 =	simm.s32 $0x2100  }
0x51: {  	[tilespmem:s31], [sflag:$0x1] =	stream.indirect_vreg.gather [hbm4b:s7+s4], $0x80, v4, vm1, $0xb8;
	[tilespmem:$0x18100] =	vst v63  }
0x52: {  	s30 =	simm.s32 $0x2500  }
0x53: {  	[tilespmem:s30], [sflag:$0x1] =	stream.indirect_vreg.gather [hbm4b:s2+s4], $0x80, v3, vm0, $0xb8;
	[tilespmem:$0x18100] =	vst v63  }
0x54: {  	s31 =	simm.s32 $0x2D00  }
0x55: {  	[tilespmem:s31], [sflag:$0x1] =	stream.indirect_vreg.gather [hbm4b:s7+s4], $0x80, v3, vm1, $0xb8;
	[tilespmem:$0x18100] =	vst v63  }
0x56: {  	v3 =	vld [tilespmem:$0x20];
	_ =	sdelay $0x4  }
0x57: {  	v58 =	vshrl.u32 v3, $0x3  }
0x58: {  	v4 =	vmul.u32 $0x18, v58  }
0x59: {  	v3 =	vand.u32 $0x7, v3  }
0x5a: {  	v3 =	vor.u32 v3, v4  }
0x5b: {  	v4 =	vperm.xlane v3, v0;
	_ =	sdelay $0x1  }
0x5c: {  	v4 =	vadd.s32 v1, v4;
	_ =	sdelay $0x1  }
0x5d: {  	v3 =	vperm.xlane v3, v2;
	_ =	sdelay $0x1  }
0x5e: {  	s30 =	simm.s32 $0x3100;
	v3 =	vadd.s32 v1, v3  }
0x5f: {  	[tilespmem:s30], [sflag:$0x1] =	stream.indirect_vreg.gather [hbm4b:s2+s4], $0x80, v4, vm0, $0xb8;
	[tilespmem:$0x18100] =	vst v63  }
0x60: {  	s31 =	simm.s32 $0x3900  }
0x61: {  	[tilespmem:s31], [sflag:$0x1] =	stream.indirect_vreg.gather [hbm4b:s7+s4], $0x80, v4, vm1, $0xb8;
	[tilespmem:$0x18100] =	vst v63  }
0x62: {  	s30 =	simm.s32 $0x3D00  }
0x63: {  	[tilespmem:s30], [sflag:$0x1] =	stream.indirect_vreg.gather [hbm4b:s2+s4], $0x80, v3, vm0, $0xb8;
	[tilespmem:$0x18100] =	vst v63  }
0x64: {  	s31 =	simm.s32 $0x4500  }
0x65: {  	[tilespmem:s31], [sflag:$0x1] =	stream.indirect_vreg.gather [hbm4b:s7+s4], $0x80, v3, vm1, $0xb8;
	[tilespmem:$0x18100] =	vst v63  }
0x66: {  	v3 =	vld [tilespmem:$0x30];
	_ =	sdelay $0x4  }
0x67: {  	v59 =	vshrl.u32 v3, $0x3  }
0x68: {  	v4 =	vmul.u32 $0x18, v59  }
0x69: {  	v3 =	vand.u32 $0x7, v3  }
0x6a: {  	v3 =	vor.u32 v3, v4  }
0x6b: {  	v4 =	vperm.xlane v3, v0;
	_ =	sdelay $0x1  }
0x6c: {  	v4 =	vadd.s32 v1, v4;
	_ =	sdelay $0x1  }
0x6d: {  	v3 =	vperm.xlane v3, v2;
	_ =	sdelay $0x1  }
0x6e: {  	s30 =	simm.s32 $0x4900;
	v3 =	vadd.s32 v1, v3  }
0x6f: {  	[tilespmem:s30], [sflag:$0x1] =	stream.indirect_vreg.gather [hbm4b:s2+s4], $0x80, v4, vm0, $0xb8;
	[tilespmem:$0x18100] =	vst v63  }
0x70: {  	s31 =	simm.s32 $0x5100  }
0x71: {  	[tilespmem:s31], [sflag:$0x1] =	stream.indirect_vreg.gather [hbm4b:s7+s4], $0x80, v4, vm1, $0xb8;
	[tilespmem:$0x18100] =	vst v63  }
0x72: {  	s30 =	simm.s32 $0x5500  }
0x73: {  	[tilespmem:s30], [sflag:$0x1] =	stream.indirect_vreg.gather [hbm4b:s2+s4], $0x80, v3, vm0, $0xb8;
	[tilespmem:$0x18100] =	vst v63  }
0x74: {  	s31 =	simm.s32 $0x5D00  }
0x75: {  	[tilespmem:s31], [sflag:$0x1] =	stream.indirect_vreg.gather [hbm4b:s7+s4], $0x80, v3, vm1, $0xb8;
	[tilespmem:$0x18100] =	vst v63  }
0x76: {  	v3 =	vld [tilespmem:$0x40];
	_ =	sdelay $0x4  }
0x77: {  	v60 =	vshrl.u32 v3, $0x3  }
0x78: {  	v4 =	vmul.u32 $0x18, v60  }
0x79: {  	v3 =	vand.u32 $0x7, v3  }
0x7a: {  	v3 =	vor.u32 v3, v4  }
0x7b: {  	v4 =	vperm.xlane v3, v0;
	_ =	sdelay $0x1  }
0x7c: {  	v4 =	vadd.s32 v1, v4;
	_ =	sdelay $0x1  }
0x7d: {  	v3 =	vperm.xlane v3, v2;
	_ =	sdelay $0x1  }
0x7e: {  	s30 =	simm.s32 $0x6100;
	v3 =	vadd.s32 v1, v3  }
0x7f: {  	[tilespmem:s30], [sflag:$0x1] =	stream.indirect_vreg.gather [hbm4b:s2+s4], $0x80, v4, vm0, $0xb8;
	[tilespmem:$0x18100] =	vst v63  }
0x80: {  	s31 =	simm.s32 $0x6900  }
0x81: {  	[tilespmem:s31], [sflag:$0x1] =	stream.indirect_vreg.gather [hbm4b:s7+s4], $0x80, v4, vm1, $0xb8;
	[tilespmem:$0x18100] =	vst v63  }
0x82: {  	s30 =	simm.s32 $0x6D00  }
0x83: {  	[tilespmem:s30], [sflag:$0x1] =	stream.indirect_vreg.gather [hbm4b:s2+s4], $0x80, v3, vm0, $0xb8;
	[tilespmem:$0x18100] =	vst v63  }
0x84: {  	s31 =	simm.s32 $0x7500  }
0x85: {  	[tilespmem:s31], [sflag:$0x1] =	stream.indirect_vreg.gather [hbm4b:s7+s4], $0x80, v3, vm1, $0xb8;
	[tilespmem:$0x18100] =	vst v63  }
0x86: {  	v3 =	vld [tilespmem:$0x50];
	_ =	sdelay $0x4  }
0x87: {  	v61 =	vshrl.u32 v3, $0x3  }
0x88: {  	v4 =	vmul.u32 $0x18, v61  }
0x89: {  	v3 =	vand.u32 $0x7, v3  }
0x8a: {  	v3 =	vor.u32 v3, v4  }
0x8b: {  	v4 =	vperm.xlane v3, v0;
	_ =	sdelay $0x1  }
0x8c: {  	v4 =	vadd.s32 v1, v4;
	_ =	sdelay $0x1  }
0x8d: {  	v3 =	vperm.xlane v3, v2;
	_ =	sdelay $0x1  }
0x8e: {  	s30 =	simm.s32 $0x7900;
	v3 =	vadd.s32 v1, v3  }
0x8f: {  	[tilespmem:s30], [sflag:$0x1] =	stream.indirect_vreg.gather [hbm4b:s2+s4], $0x80, v4, vm0, $0xb8;
	[tilespmem:$0x18100] =	vst v63  }
0x90: {  	s31 =	simm.s32 $0x8100  }
0x91: {  	[tilespmem:s31], [sflag:$0x1] =	stream.indirect_vreg.gather [hbm4b:s7+s4], $0x80, v4, vm1, $0xb8;
	[tilespmem:$0x18100] =	vst v63  }
0x92: {  	s30 =	simm.s32 $0x8500  }
0x93: {  	[tilespmem:s30], [sflag:$0x1] =	stream.indirect_vreg.gather [hbm4b:s2+s4], $0x80, v3, vm0, $0xb8;
	[tilespmem:$0x18100] =	vst v63  }
0x94: {  	s31 =	simm.s32 $0x8D00  }
0x95: {  	[tilespmem:s31], [sflag:$0x1] =	stream.indirect_vreg.gather [hbm4b:s7+s4], $0x80, v3, vm1, $0xb8;
	[tilespmem:$0x18100] =	vst v63  }
0x96: {  	v3 =	vld [tilespmem:$0x60];
	_ =	sdelay $0x4  }
0x97: {  	v62 =	vshrl.u32 v3, $0x3  }
0x98: {  	v4 =	vmul.u32 $0x18, v62  }
0x99: {  	v3 =	vand.u32 $0x7, v3  }
0x9a: {  	v3 =	vor.u32 v3, v4  }
0x9b: {  	v4 =	vperm.xlane v3, v0;
	_ =	sdelay $0x1  }
0x9c: {  	v4 =	vadd.s32 v1, v4;
	_ =	sdelay $0x1  }
0x9d: {  	v3 =	vperm.xlane v3, v2;
	_ =	sdelay $0x1  }
0x9e: {  	s30 =	simm.s32 $0x9100;
	v3 =	vadd.s32 v1, v3  }
0x9f: {  	[tilespmem:s30], [sflag:$0x1] =	stream.indirect_vreg.gather [hbm4b:s2+s4], $0x80, v4, vm0, $0xb8;
	[tilespmem:$0x18100] =	vst v63  }
0xa0: {  	s31 =	simm.s32 $0x9900  }
0xa1: {  	[tilespmem:s31], [sflag:$0x1] =	stream.indirect_vreg.gather [hbm4b:s7+s4], $0x80, v4, vm1, $0xb8;
	[tilespmem:$0x18100] =	vst v63  }
0xa2: {  	s30 =	simm.s32 $0x9D00  }
0xa3: {  	[tilespmem:s30], [sflag:$0x1] =	stream.indirect_vreg.gather [hbm4b:s2+s4], $0x80, v3, vm0, $0xb8;
	[tilespmem:$0x18100] =	vst v63  }
0xa4: {  	s31 =	simm.s32 $0xA500  }
0xa5: {  	[tilespmem:s31], [sflag:$0x1] =	stream.indirect_vreg.gather [hbm4b:s7+s4], $0x80, v3, vm1, $0xb8;
	[tilespmem:$0x18100] =	vst v63  }
0xa6: {  	v3 =	vld [tilespmem:$0x70];
	_ =	sdelay $0x4  }
0xa7: {  	v63 =	vshrl.u32 v3, $0x3  }
0xa8: {  	v4 =	vmul.u32 $0x18, v63  }
0xa9: {  	v3 =	vand.u32 $0x7, v3  }
0xaa: {  	v3 =	vor.u32 v3, v4  }
0xab: {  	v4 =	vperm.xlane v3, v0;
	_ =	sdelay $0x1  }
0xac: {  	v4 =	vadd.s32 v1, v4;
	_ =	sdelay $0x1  }
0xad: {  	v3 =	vperm.xlane v3, v2;
	_ =	sdelay $0x1  }
0xae: {  	s30 =	simm.s32 $0xA900;
	v3 =	vadd.s32 v1, v3  }
0xaf: {  	[tilespmem:s30], [sflag:$0x1] =	stream.indirect_vreg.gather [hbm4b:s2+s4], $0x80, v4, vm0, $0xb8;
	[tilespmem:$0x18100] =	vst v63  }
0xb0: {  	s31 =	simm.s32 $0xB100  }
0xb1: {  	[tilespmem:s31], [sflag:$0x1] =	stream.indirect_vreg.gather [hbm4b:s7+s4], $0x80, v4, vm1, $0xb8;
	[tilespmem:$0x18100] =	vst v63  }
0xb2: {  	s26 =	rddreg [dreg:$0xc];
	s30 =	simm.s32 $0xB500  }
0xb3: {  	[tilespmem:s30], [sflag:$0x1] =	stream.indirect_vreg.gather [hbm4b:s2+s4], $0x80, v3, vm0, $0xb8;
	[tilespmem:$0x18100] =	vst v63  }
0xb4: {  	s29 =	simm.s32 $0x0;
	s28 =	rddreg [dreg:$0xa];
	s31 =	simm.s32 $0xBD00  }
0xb5: {  	[tilespmem:s31], [sflag:$0x1] =	stream.indirect_vreg.gather [hbm4b:s7+s4], $0x80, v3, vm1, $0xb8;
	[tilespmem:$0x18100] =	vst v63  }
.LBB2_2:
0xb6: {  	p0 =	seq.s32 s29, $0x0  }
0xb7: {  	s30 =	simm.s32 @!p0 $0x4  }
0xb8: {  	_ =	swait.ge @!p0 [sflag:s30], $0xC000  }
0xb9: {  	[sflag:s30] =	ssyncset.done @!p0 $0x0  }
0xba: {  	[sflag:s30] =	ssyncadd.s32 @!p0 $0xFFFF4000  }
0xbb: {  	_ =	swait.ge [sflag:s6], $0x80  }
0xbc: {  	[sflag:s6] =	ssyncset.done $0x0  }
0xbd: {  	[sflag:s6] =	ssyncadd.s32 $0xFFFFFF80  }
0xbe: {  	v3 =	vld [tilespmem:$0x80];
	_ =	sdelay $0x4  }
0xbf: {  	v4 =	vshrl.u32 v3, $0x3  }
0xc0: {  	v4 =	vmul.u32 $0x18, v4  }
0xc1: {  	v3 =	vand.u32 $0x7, v3  }
0xc2: {  	v3 =	vor.u32 v3, v4  }
0xc3: {  	v4 =	vperm.xlane v3, v0;
	_ =	sdelay $0x1  }
0xc4: {  	v4 =	vadd.s32 v1, v4;
	_ =	sdelay $0x1  }
0xc5: {  	v3 =	vperm.xlane v3, v2;
	_ =	sdelay $0x1  }
0xc6: {  	v3 =	vadd.s32 v1, v3  }
0xc7: {  	[tilespmem:s9], [sflag:$0x2] =	stream.indirect_vreg.gather [hbm4b:s2+s4], $0x80, v4, vm0, $0xb8;
	[tilespmem:$0x18100] =	vst v63  }
0xc8: {  	s31 =	simm.s32 $0xC900  }
0xc9: {  	[tilespmem:s31], [sflag:$0x2] =	stream.indirect_vreg.gather [hbm4b:s7+s4], $0x80, v4, vm1, $0xb8;
	[tilespmem:$0x18100] =	vst v63  }
0xca: {  	s31 =	simm.s32 $0xCD00  }
0xcb: {  	[tilespmem:s31], [sflag:$0x2] =	stream.indirect_vreg.gather [hbm4b:s2+s4], $0x80, v3, vm0, $0xb8;
	[tilespmem:$0x18100] =	vst v63  }
0xcc: {  	s31 =	simm.s32 $0xD500  }
0xcd: {  	[tilespmem:s31], [sflag:$0x2] =	stream.indirect_vreg.gather [hbm4b:s7+s4], $0x80, v3, vm1, $0xb8;
	[tilespmem:$0x18100] =	vst v63  }
0xce: {  	v3 =	vld [tilespmem:$0x90];
	_ =	sdelay $0x4  }
0xcf: {  	v57 =	vshrl.u32 v3, $0x3  }
0xd0: {  	v4 =	vmul.u32 $0x18, v57  }
0xd1: {  	v3 =	vand.u32 $0x7, v3  }
0xd2: {  	v3 =	vor.u32 v3, v4  }
0xd3: {  	v4 =	vperm.xlane v3, v0;
	_ =	sdelay $0x1  }
0xd4: {  	v4 =	vadd.s32 v1, v4;
	_ =	sdelay $0x1  }
0xd5: {  	v3 =	vperm.xlane v3, v2;
	_ =	sdelay $0x1  }
0xd6: {  	s31 =	simm.s32 $0xD900;
	v3 =	vadd.s32 v1, v3  }
0xd7: {  	[tilespmem:s31], [sflag:$0x2] =	stream.indirect_vreg.gather [hbm4b:s2+s4], $0x80, v4, vm0, $0xb8;
	[tilespmem:$0x18100] =	vst v63  }
0xd8: {  	s31 =	simm.s32 $0xE100  }
0xd9: {  	[tilespmem:s31], [sflag:$0x2] =	stream.indirect_vreg.gather [hbm4b:s7+s4], $0x80, v4, vm1, $0xb8;
	[tilespmem:$0x18100] =	vst v63  }
0xda: {  	s31 =	simm.s32 $0xE500  }
0xdb: {  	[tilespmem:s31], [sflag:$0x2] =	stream.indirect_vreg.gather [hbm4b:s2+s4], $0x80, v3, vm0, $0xb8;
	[tilespmem:$0x18100] =	vst v63  }
0xdc: {  	s31 =	simm.s32 $0xED00  }
0xdd: {  	[tilespmem:s31], [sflag:$0x2] =	stream.indirect_vreg.gather [hbm4b:s7+s4], $0x80, v3, vm1, $0xb8;
	[tilespmem:$0x18100] =	vst v63  }
0xde: {  	v3 =	vld [tilespmem:$0xA0];
	_ =	sdelay $0x4  }
0xdf: {  	v58 =	vshrl.u32 v3, $0x3  }
0xe0: {  	v4 =	vmul.u32 $0x18, v58  }
0xe1: {  	v3 =	vand.u32 $0x7, v3  }
0xe2: {  	v3 =	vor.u32 v3, v4  }
0xe3: {  	v4 =	vperm.xlane v3, v0;
	_ =	sdelay $0x1  }
0xe4: {  	v4 =	vadd.s32 v1, v4;
	_ =	sdelay $0x1  }
0xe5: {  	v3 =	vperm.xlane v3, v2;
	_ =	sdelay $0x1  }
0xe6: {  	s31 =	simm.s32 $0xF100;
	v3 =	vadd.s32 v1, v3  }
0xe7: {  	[tilespmem:s31], [sflag:$0x2] =	stream.indirect_vreg.gather [hbm4b:s2+s4], $0x80, v4, vm0, $0xb8;
	[tilespmem:$0x18100] =	vst v63  }
0xe8: {  	s31 =	simm.s32 $0xF900  }
0xe9: {  	[tilespmem:s31], [sflag:$0x2] =	stream.indirect_vreg.gather [hbm4b:s7+s4], $0x80, v4, vm1, $0xb8;
	[tilespmem:$0x18100] =	vst v63  }
0xea: {  	s31 =	simm.s32 $0xFD00  }
0xeb: {  	[tilespmem:s31], [sflag:$0x2] =	stream.indirect_vreg.gather [hbm4b:s2+s4], $0x80, v3, vm0, $0xb8;
	[tilespmem:$0x18100] =	vst v63  }
0xec: {  	s31 =	simm.s32 $0x10500  }
0xed: {  	[tilespmem:s31], [sflag:$0x2] =	stream.indirect_vreg.gather [hbm4b:s7+s4], $0x80, v3, vm1, $0xb8;
	[tilespmem:$0x18100] =	vst v63  }
0xee: {  	v3 =	vld [tilespmem:$0xB0];
	_ =	sdelay $0x4  }
0xef: {  	v59 =	vshrl.u32 v3, $0x3  }
0xf0: {  	v4 =	vmul.u32 $0x18, v59  }
0xf1: {  	v3 =	vand.u32 $0x7, v3  }
0xf2: {  	v3 =	vor.u32 v3, v4  }
0xf3: {  	v4 =	vperm.xlane v3, v0;
	_ =	sdelay $0x1  }
0xf4: {  	v4 =	vadd.s32 v1, v4;
	_ =	sdelay $0x1  }
0xf5: {  	v3 =	vperm.xlane v3, v2;
	_ =	sdelay $0x1  }
0xf6: {  	s31 =	simm.s32 $0x10900;
	v3 =	vadd.s32 v1, v3  }
0xf7: {  	[tilespmem:s31], [sflag:$0x2] =	stream.indirect_vreg.gather [hbm4b:s2+s4], $0x80, v4, vm0, $0xb8;
	[tilespmem:$0x18100] =	vst v63  }
0xf8: {  	s31 =	simm.s32 $0x11100  }
0xf9: {  	[tilespmem:s31], [sflag:$0x2] =	stream.indirect_vreg.gather [hbm4b:s7+s4], $0x80, v4, vm1, $0xb8;
	[tilespmem:$0x18100] =	vst v63  }
0xfa: {  	s31 =	simm.s32 $0x11500  }
0xfb: {  	[tilespmem:s31], [sflag:$0x2] =	stream.indirect_vreg.gather [hbm4b:s2+s4], $0x80, v3, vm0, $0xb8;
	[tilespmem:$0x18100] =	vst v63  }
0xfc: {  	s31 =	simm.s32 $0x11D00  }
0xfd: {  	[tilespmem:s31], [sflag:$0x2] =	stream.indirect_vreg.gather [hbm4b:s7+s4], $0x80, v3, vm1, $0xb8;
	[tilespmem:$0x18100] =	vst v63  }
0xfe: {  	v3 =	vld [tilespmem:$0xC0];
	_ =	sdelay $0x4  }
0xff: {  	v60 =	vshrl.u32 v3, $0x3  }
0x100: {  	v4 =	vmul.u32 $0x18, v60  }
0x101: {  	v3 =	vand.u32 $0x7, v3  }
0x102: {  	v3 =	vor.u32 v3, v4  }
0x103: {  	v4 =	vperm.xlane v3, v0;
	_ =	sdelay $0x1  }
0x104: {  	v4 =	vadd.s32 v1, v4;
	_ =	sdelay $0x1  }
0x105: {  	v3 =	vperm.xlane v3, v2;
	_ =	sdelay $0x1  }
0x106: {  	s31 =	simm.s32 $0x12100;
	v3 =	vadd.s32 v1, v3  }
0x107: {  	[tilespmem:s31], [sflag:$0x2] =	stream.indirect_vreg.gather [hbm4b:s2+s4], $0x80, v4, vm0, $0xb8;
	[tilespmem:$0x18100] =	vst v63  }
0x108: {  	s31 =	simm.s32 $0x12900  }
0x109: {  	[tilespmem:s31], [sflag:$0x2] =	stream.indirect_vreg.gather [hbm4b:s7+s4], $0x80, v4, vm1, $0xb8;
	[tilespmem:$0x18100] =	vst v63  }
0x10a: {  	_ = 	snop  }
0x10b: {  	[tilespmem:s1], [sflag:$0x2] =	stream.indirect_vreg.gather [hbm4b:s2+s4], $0x80, v3, vm0, $0xb8;
	[tilespmem:$0x18100] =	vst v63  }
0x10c: {  	_ = 	snop  }
0x10d: {  	[tilespmem:s0], [sflag:$0x2] =	stream.indirect_vreg.gather [hbm4b:s7+s4], $0x80, v3, vm1, $0xb8;
	[tilespmem:$0x18100] =	vst v63  }
0x10e: {  	v3 =	vld [tilespmem:$0xD0];
	_ =	sdelay $0x4  }
0x10f: {  	v61 =	vshrl.u32 v3, $0x3  }
0x110: {  	v4 =	vmul.u32 $0x18, v61  }
0x111: {  	v3 =	vand.u32 $0x7, v3  }
0x112: {  	v3 =	vor.u32 v3, v4  }
0x113: {  	v4 =	vperm.xlane v3, v0;
	_ =	sdelay $0x1  }
0x114: {  	v4 =	vadd.s32 v1, v4;
	_ =	sdelay $0x1  }
0x115: {  	v3 =	vperm.xlane v3, v2;
	_ =	sdelay $0x1  }
0x116: {  	v3 =	vadd.s32 v1, v3  }
0x117: {  	[tilespmem:s12], [sflag:$0x2] =	stream.indirect_vreg.gather [hbm4b:s2+s4], $0x80, v4, vm0, $0xb8;
	[tilespmem:$0x18100] =	vst v63  }
0x118: {  	_ = 	snop  }
0x119: {  	[tilespmem:s16], [sflag:$0x2] =	stream.indirect_vreg.gather [hbm4b:s7+s4], $0x80, v4, vm1, $0xb8;
	[tilespmem:$0x18100] =	vst v63  }
0x11a: {  	_ = 	snop  }
0x11b: {  	[tilespmem:s20], [sflag:$0x2] =	stream.indirect_vreg.gather [hbm4b:s2+s4], $0x80, v3, vm0, $0xb8;
	[tilespmem:$0x18100] =	vst v63  }
0x11c: {  	_ = 	snop  }
0x11d: {  	[tilespmem:s11], [sflag:$0x2] =	stream.indirect_vreg.gather [hbm4b:s7+s4], $0x80, v3, vm1, $0xb8;
	[tilespmem:$0x18100] =	vst v63  }
0x11e: {  	v3 =	vld [tilespmem:$0xE0];
	_ =	sdelay $0x4  }
0x11f: {  	v62 =	vshrl.u32 v3, $0x3  }
0x120: {  	v4 =	vmul.u32 $0x18, v62  }
0x121: {  	v3 =	vand.u32 $0x7, v3  }
0x122: {  	v3 =	vor.u32 v3, v4  }
0x123: {  	v4 =	vperm.xlane v3, v0;
	_ =	sdelay $0x1  }
0x124: {  	v4 =	vadd.s32 v1, v4;
	_ =	sdelay $0x1  }
0x125: {  	v3 =	vperm.xlane v3, v2;
	_ =	sdelay $0x1  }
0x126: {  	v3 =	vadd.s32 v1, v3  }
0x127: {  	[tilespmem:s5], [sflag:$0x2] =	stream.indirect_vreg.gather [hbm4b:s2+s4], $0x80, v4, vm0, $0xb8;
	[tilespmem:$0x18100] =	vst v63  }
0x128: {  	_ = 	snop  }
0x129: {  	[tilespmem:s13], [sflag:$0x2] =	stream.indirect_vreg.gather [hbm4b:s7+s4], $0x80, v4, vm1, $0xb8;
	[tilespmem:$0x18100] =	vst v63  }
0x12a: {  	_ = 	snop  }
0x12b: {  	[tilespmem:s8], [sflag:$0x2] =	stream.indirect_vreg.gather [hbm4b:s2+s4], $0x80, v3, vm0, $0xb8;
	[tilespmem:$0x18100] =	vst v63  }
0x12c: {  	_ = 	snop  }
0x12d: {  	[tilespmem:s15], [sflag:$0x2] =	stream.indirect_vreg.gather [hbm4b:s7+s4], $0x80, v3, vm1, $0xb8;
	[tilespmem:$0x18100] =	vst v63  }
0x12e: {  	v3 =	vld [tilespmem:$0xF0];
	_ =	sdelay $0x4  }
0x12f: {  	v63 =	vshrl.u32 v3, $0x3  }
0x130: {  	v4 =	vmul.u32 $0x18, v63  }
0x131: {  	v3 =	vand.u32 $0x7, v3  }
0x132: {  	v3 =	vor.u32 v3, v4  }
0x133: {  	v4 =	vperm.xlane v3, v0;
	_ =	sdelay $0x1  }
0x134: {  	v4 =	vadd.s32 v1, v4;
	_ =	sdelay $0x1  }
0x135: {  	v3 =	vperm.xlane v3, v2;
	_ =	sdelay $0x1  }
0x136: {  	v3 =	vadd.s32 v1, v3  }
0x137: {  	[tilespmem:s17], [sflag:$0x2] =	stream.indirect_vreg.gather [hbm4b:s2+s4], $0x80, v4, vm0, $0xb8;
	[tilespmem:$0x18100] =	vst v63  }
0x138: {  	_ = 	snop  }
0x139: {  	[tilespmem:s19], [sflag:$0x2] =	stream.indirect_vreg.gather [hbm4b:s7+s4], $0x80, v4, vm1, $0xb8;
	[tilespmem:$0x18100] =	vst v63  }
0x13a: {  	_ = 	snop  }
0x13b: {  	[tilespmem:s14], [sflag:$0x2] =	stream.indirect_vreg.gather [hbm4b:s2+s4], $0x80, v3, vm0, $0xb8;
	[tilespmem:$0x18100] =	vst v63  }
0x13c: {  	p0 =	seq.s32 s29, $0x5E0  }
0x13d: {  	[tilespmem:s18], [sflag:$0x2] =	stream.indirect_vreg.gather [hbm4b:s7+s4], $0x80, v3, vm1, $0xb8;
	[tilespmem:$0x18100] =	vst v63  }
.Ltmp2:
0x13e: {  	_ = 	snop;
	(pc) =	sbr.rel @p0 .LBB2_4-.Ltmp2, $4  }
0x13f: {  	_ =	swait.ge [sflag:s23], $0xC000  }
0x140: {  	[sflag:s23] =	ssyncset.done $0x0  }
0x141: {  	[sflag:s23] =	ssyncadd.s32 $0xFFFF4000  }
0x142: {  	[hbm4b:s26+s4] =	stream.linear.scatter [tilespmem:s22], [sflag:$0x3], $0xC000, $0x38;
	[tilespmem:$0x18100] =	vst v63  }
0x143: {  	s30 =	rddreg [dreg:$0xb]  }
0x144: {  	s30 =	sadd.s32 s29, s30  }
0x145: {  	[tilespmem:s4], [sflag:$0x5] =	stream.linear.gather [hbm4b:s30+s4], $0x80, $0x38;
	[tilespmem:$0x18100] =	vst v63  }
0x146: {  	_ =	swait.ge [sflag:s25], $0xC000  }
0x147: {  	[sflag:s25] =	ssyncset.done $0x0  }
0x148: {  	[sflag:s25] =	ssyncadd.s32 $0xFFFF4000  }
0x149: {  	_ =	swait.ge [sflag:s21], $0x80  }
0x14a: {  	[sflag:s21] =	ssyncset.done $0x0  }
0x14b: {  	[sflag:s21] =	ssyncadd.s32 $0xFFFFFF80  }
0x14c: {  	v3 =	vld [tilespmem:$0x0];
	_ =	sdelay $0x4  }
0x14d: {  	v4 =	vshrl.u32 v3, $0x3  }
0x14e: {  	v4 =	vmul.u32 $0x18, v4  }
0x14f: {  	v3 =	vand.u32 $0x7, v3  }
0x150: {  	v3 =	vor.u32 v3, v4  }
0x151: {  	v4 =	vperm.xlane v3, v0;
	_ =	sdelay $0x1  }
0x152: {  	v4 =	vadd.s32 v1, v4;
	_ =	sdelay $0x1  }
0x153: {  	v3 =	vperm.xlane v3, v2;
	_ =	sdelay $0x1  }
0x154: {  	v3 =	vadd.s32 v1, v3  }
0x155: {  	[tilespmem:s22], [sflag:$0x1] =	stream.indirect_vreg.gather [hbm4b:s2+s4], $0x80, v4, vm0, $0xb8;
	[tilespmem:$0x18100] =	vst v63  }
0x156: {  	s31 =	simm.s32 $0x900  }
0x157: {  	[tilespmem:s31], [sflag:$0x1] =	stream.indirect_vreg.gather [hbm4b:s7+s4], $0x80, v4, vm1, $0xb8;
	[tilespmem:$0x18100] =	vst v63  }
0x158: {  	s31 =	simm.s32 $0xD00  }
0x159: {  	[tilespmem:s31], [sflag:$0x1] =	stream.indirect_vreg.gather [hbm4b:s2+s4], $0x80, v3, vm0, $0xb8;
	[tilespmem:$0x18100] =	vst v63  }
0x15a: {  	s31 =	simm.s32 $0x1500  }
0x15b: {  	[tilespmem:s31], [sflag:$0x1] =	stream.indirect_vreg.gather [hbm4b:s7+s4], $0x80, v3, vm1, $0xb8;
	[tilespmem:$0x18100] =	vst v63  }
0x15c: {  	v3 =	vld [tilespmem:$0x10];
	_ =	sdelay $0x4  }
0x15d: {  	v57 =	vshrl.u32 v3, $0x3  }
0x15e: {  	v4 =	vmul.u32 $0x18, v57  }
0x15f: {  	v3 =	vand.u32 $0x7, v3  }
0x160: {  	v3 =	vor.u32 v3, v4  }
0x161: {  	v4 =	vperm.xlane v3, v0;
	_ =	sdelay $0x1  }
0x162: {  	v4 =	vadd.s32 v1, v4;
	_ =	sdelay $0x1  }
0x163: {  	v3 =	vperm.xlane v3, v2;
	_ =	sdelay $0x1  }
0x164: {  	s31 =	simm.s32 $0x1900;
	v3 =	vadd.s32 v1, v3  }
0x165: {  	[tilespmem:s31], [sflag:$0x1] =	stream.indirect_vreg.gather [hbm4b:s2+s4], $0x80, v4, vm0, $0xb8;
	[tilespmem:$0x18100] =	vst v63  }
0x166: {  	s31 =	simm.s32 $0x2100  }
0x167: {  	[tilespmem:s31], [sflag:$0x1] =	stream.indirect_vreg.gather [hbm4b:s7+s4], $0x80, v4, vm1, $0xb8;
	[tilespmem:$0x18100] =	vst v63  }
0x168: {  	s31 =	simm.s32 $0x2500  }
0x169: {  	[tilespmem:s31], [sflag:$0x1] =	stream.indirect_vreg.gather [hbm4b:s2+s4], $0x80, v3, vm0, $0xb8;
	[tilespmem:$0x18100] =	vst v63  }
0x16a: {  	s31 =	simm.s32 $0x2D00  }
0x16b: {  	[tilespmem:s31], [sflag:$0x1] =	stream.indirect_vreg.gather [hbm4b:s7+s4], $0x80, v3, vm1, $0xb8;
	[tilespmem:$0x18100] =	vst v63  }
0x16c: {  	v3 =	vld [tilespmem:$0x20];
	_ =	sdelay $0x4  }
0x16d: {  	v58 =	vshrl.u32 v3, $0x3  }
0x16e: {  	v4 =	vmul.u32 $0x18, v58  }
0x16f: {  	v3 =	vand.u32 $0x7, v3  }
0x170: {  	v3 =	vor.u32 v3, v4  }
0x171: {  	v4 =	vperm.xlane v3, v0;
	_ =	sdelay $0x1  }
0x172: {  	v4 =	vadd.s32 v1, v4;
	_ =	sdelay $0x1  }
0x173: {  	v3 =	vperm.xlane v3, v2;
	_ =	sdelay $0x1  }
0x174: {  	s31 =	simm.s32 $0x3100;
	v3 =	vadd.s32 v1, v3  }
0x175: {  	[tilespmem:s31], [sflag:$0x1] =	stream.indirect_vreg.gather [hbm4b:s2+s4], $0x80, v4, vm0, $0xb8;
	[tilespmem:$0x18100] =	vst v63  }
0x176: {  	s31 =	simm.s32 $0x3900  }
0x177: {  	[tilespmem:s31], [sflag:$0x1] =	stream.indirect_vreg.gather [hbm4b:s7+s4], $0x80, v4, vm1, $0xb8;
	[tilespmem:$0x18100] =	vst v63  }
0x178: {  	s31 =	simm.s32 $0x3D00  }
0x179: {  	[tilespmem:s31], [sflag:$0x1] =	stream.indirect_vreg.gather [hbm4b:s2+s4], $0x80, v3, vm0, $0xb8;
	[tilespmem:$0x18100] =	vst v63  }
0x17a: {  	s31 =	simm.s32 $0x4500  }
0x17b: {  	[tilespmem:s31], [sflag:$0x1] =	stream.indirect_vreg.gather [hbm4b:s7+s4], $0x80, v3, vm1, $0xb8;
	[tilespmem:$0x18100] =	vst v63  }
0x17c: {  	v3 =	vld [tilespmem:$0x30];
	_ =	sdelay $0x4  }
0x17d: {  	v59 =	vshrl.u32 v3, $0x3  }
0x17e: {  	v4 =	vmul.u32 $0x18, v59  }
0x17f: {  	v3 =	vand.u32 $0x7, v3  }
0x180: {  	v3 =	vor.u32 v3, v4  }
0x181: {  	v4 =	vperm.xlane v3, v0;
	_ =	sdelay $0x1  }
0x182: {  	v4 =	vadd.s32 v1, v4;
	_ =	sdelay $0x1  }
0x183: {  	v3 =	vperm.xlane v3, v2;
	_ =	sdelay $0x1  }
0x184: {  	s31 =	simm.s32 $0x4900;
	v3 =	vadd.s32 v1, v3  }
0x185: {  	[tilespmem:s31], [sflag:$0x1] =	stream.indirect_vreg.gather [hbm4b:s2+s4], $0x80, v4, vm0, $0xb8;
	[tilespmem:$0x18100] =	vst v63  }
0x186: {  	s31 =	simm.s32 $0x5100  }
0x187: {  	[tilespmem:s31], [sflag:$0x1] =	stream.indirect_vreg.gather [hbm4b:s7+s4], $0x80, v4, vm1, $0xb8;
	[tilespmem:$0x18100] =	vst v63  }
0x188: {  	s31 =	simm.s32 $0x5500  }
0x189: {  	[tilespmem:s31], [sflag:$0x1] =	stream.indirect_vreg.gather [hbm4b:s2+s4], $0x80, v3, vm0, $0xb8;
	[tilespmem:$0x18100] =	vst v63  }
0x18a: {  	s31 =	simm.s32 $0x5D00  }
0x18b: {  	[tilespmem:s31], [sflag:$0x1] =	stream.indirect_vreg.gather [hbm4b:s7+s4], $0x80, v3, vm1, $0xb8;
	[tilespmem:$0x18100] =	vst v63  }
0x18c: {  	v3 =	vld [tilespmem:$0x40];
	_ =	sdelay $0x4  }
0x18d: {  	v60 =	vshrl.u32 v3, $0x3  }
0x18e: {  	v4 =	vmul.u32 $0x18, v60  }
0x18f: {  	v3 =	vand.u32 $0x7, v3  }
0x190: {  	v3 =	vor.u32 v3, v4  }
0x191: {  	v4 =	vperm.xlane v3, v0;
	_ =	sdelay $0x1  }
0x192: {  	v4 =	vadd.s32 v1, v4;
	_ =	sdelay $0x1  }
0x193: {  	v3 =	vperm.xlane v3, v2;
	_ =	sdelay $0x1  }
0x194: {  	s31 =	simm.s32 $0x6100;
	v3 =	vadd.s32 v1, v3  }
0x195: {  	[tilespmem:s31], [sflag:$0x1] =	stream.indirect_vreg.gather [hbm4b:s2+s4], $0x80, v4, vm0, $0xb8;
	[tilespmem:$0x18100] =	vst v63  }
0x196: {  	s31 =	simm.s32 $0x6900  }
0x197: {  	[tilespmem:s31], [sflag:$0x1] =	stream.indirect_vreg.gather [hbm4b:s7+s4], $0x80, v4, vm1, $0xb8;
	[tilespmem:$0x18100] =	vst v63  }
0x198: {  	s31 =	simm.s32 $0x6D00  }
0x199: {  	[tilespmem:s31], [sflag:$0x1] =	stream.indirect_vreg.gather [hbm4b:s2+s4], $0x80, v3, vm0, $0xb8;
	[tilespmem:$0x18100] =	vst v63  }
0x19a: {  	s31 =	simm.s32 $0x7500  }
0x19b: {  	[tilespmem:s31], [sflag:$0x1] =	stream.indirect_vreg.gather [hbm4b:s7+s4], $0x80, v3, vm1, $0xb8;
	[tilespmem:$0x18100] =	vst v63  }
0x19c: {  	v3 =	vld [tilespmem:$0x50];
	_ =	sdelay $0x4  }
0x19d: {  	v61 =	vshrl.u32 v3, $0x3  }
0x19e: {  	v4 =	vmul.u32 $0x18, v61  }
0x19f: {  	v3 =	vand.u32 $0x7, v3  }
0x1a0: {  	v3 =	vor.u32 v3, v4  }
0x1a1: {  	v4 =	vperm.xlane v3, v0;
	_ =	sdelay $0x1  }
0x1a2: {  	v4 =	vadd.s32 v1, v4;
	_ =	sdelay $0x1  }
0x1a3: {  	v3 =	vperm.xlane v3, v2;
	_ =	sdelay $0x1  }
0x1a4: {  	s31 =	simm.s32 $0x7900;
	v3 =	vadd.s32 v1, v3  }
0x1a5: {  	[tilespmem:s31], [sflag:$0x1] =	stream.indirect_vreg.gather [hbm4b:s2+s4], $0x80, v4, vm0, $0xb8;
	[tilespmem:$0x18100] =	vst v63  }
0x1a6: {  	s31 =	simm.s32 $0x8100  }
0x1a7: {  	[tilespmem:s31], [sflag:$0x1] =	stream.indirect_vreg.gather [hbm4b:s7+s4], $0x80, v4, vm1, $0xb8;
	[tilespmem:$0x18100] =	vst v63  }
0x1a8: {  	s31 =	simm.s32 $0x8500  }
0x1a9: {  	[tilespmem:s31], [sflag:$0x1] =	stream.indirect_vreg.gather [hbm4b:s2+s4], $0x80, v3, vm0, $0xb8;
	[tilespmem:$0x18100] =	vst v63  }
0x1aa: {  	s31 =	simm.s32 $0x8D00  }
0x1ab: {  	[tilespmem:s31], [sflag:$0x1] =	stream.indirect_vreg.gather [hbm4b:s7+s4], $0x80, v3, vm1, $0xb8;
	[tilespmem:$0x18100] =	vst v63  }
0x1ac: {  	v3 =	vld [tilespmem:$0x60];
	_ =	sdelay $0x4  }
0x1ad: {  	v62 =	vshrl.u32 v3, $0x3  }
0x1ae: {  	v4 =	vmul.u32 $0x18, v62  }
0x1af: {  	v3 =	vand.u32 $0x7, v3  }
0x1b0: {  	v3 =	vor.u32 v3, v4  }
0x1b1: {  	v4 =	vperm.xlane v3, v0;
	_ =	sdelay $0x1  }
0x1b2: {  	v4 =	vadd.s32 v1, v4;
	_ =	sdelay $0x1  }
0x1b3: {  	v3 =	vperm.xlane v3, v2;
	_ =	sdelay $0x1  }
0x1b4: {  	s31 =	simm.s32 $0x9100;
	v3 =	vadd.s32 v1, v3  }
0x1b5: {  	[tilespmem:s31], [sflag:$0x1] =	stream.indirect_vreg.gather [hbm4b:s2+s4], $0x80, v4, vm0, $0xb8;
	[tilespmem:$0x18100] =	vst v63  }
0x1b6: {  	s31 =	simm.s32 $0x9900  }
0x1b7: {  	[tilespmem:s31], [sflag:$0x1] =	stream.indirect_vreg.gather [hbm4b:s7+s4], $0x80, v4, vm1, $0xb8;
	[tilespmem:$0x18100] =	vst v63  }
0x1b8: {  	s31 =	simm.s32 $0x9D00  }
0x1b9: {  	[tilespmem:s31], [sflag:$0x1] =	stream.indirect_vreg.gather [hbm4b:s2+s4], $0x80, v3, vm0, $0xb8;
	[tilespmem:$0x18100] =	vst v63  }
0x1ba: {  	s31 =	simm.s32 $0xA500  }
0x1bb: {  	[tilespmem:s31], [sflag:$0x1] =	stream.indirect_vreg.gather [hbm4b:s7+s4], $0x80, v3, vm1, $0xb8;
	[tilespmem:$0x18100] =	vst v63  }
0x1bc: {  	v3 =	vld [tilespmem:$0x70];
	_ =	sdelay $0x4  }
0x1bd: {  	v63 =	vshrl.u32 v3, $0x3  }
0x1be: {  	v4 =	vmul.u32 $0x18, v63  }
0x1bf: {  	v3 =	vand.u32 $0x7, v3  }
0x1c0: {  	v3 =	vor.u32 v3, v4  }
0x1c1: {  	v4 =	vperm.xlane v3, v0;
	_ =	sdelay $0x1  }
0x1c2: {  	v4 =	vadd.s32 v1, v4;
	_ =	sdelay $0x1  }
0x1c3: {  	v3 =	vperm.xlane v3, v2;
	_ =	sdelay $0x1  }
0x1c4: {  	s31 =	simm.s32 $0xA900;
	v3 =	vadd.s32 v1, v3  }
0x1c5: {  	[tilespmem:s31], [sflag:$0x1] =	stream.indirect_vreg.gather [hbm4b:s2+s4], $0x80, v4, vm0, $0xb8;
	[tilespmem:$0x18100] =	vst v63  }
0x1c6: {  	s31 =	simm.s32 $0xB100  }
0x1c7: {  	[tilespmem:s31], [sflag:$0x1] =	stream.indirect_vreg.gather [hbm4b:s7+s4], $0x80, v4, vm1, $0xb8;
	[tilespmem:$0x18100] =	vst v63  }
0x1c8: {  	s31 =	simm.s32 $0xB500  }
0x1c9: {  	[tilespmem:s31], [sflag:$0x1] =	stream.indirect_vreg.gather [hbm4b:s2+s4], $0x80, v3, vm0, $0xb8;
	[tilespmem:$0x18100] =	vst v63  }
0x1ca: {  	s31 =	simm.s32 $0xBD00  }
0x1cb: {  	[tilespmem:s31], [sflag:$0x1] =	stream.indirect_vreg.gather [hbm4b:s7+s4], $0x80, v3, vm1, $0xb8;
	[tilespmem:$0x18100] =	vst v63  }
.LBB2_4:
.Ltmp3:
0x1cc: {  	(pc) =	sbr.rel @p0 .LBB2_6-.Ltmp3, $4  }
0x1cd: {  	_ =	swait.ge [sflag:s24], $0xC000  }
0x1ce: {  	[sflag:s24] =	ssyncset.done $0x0  }
0x1cf: {  	[sflag:s24] =	ssyncadd.s32 $0xFFFF4000  }
0x1d0: {  	[hbm4b:s28+s4] =	stream.linear.scatter [tilespmem:s9], [sflag:$0x4], $0xC000, $0x38;
	[tilespmem:$0x18100] =	vst v63  }
.Ltmp4:
0x1d1: {  	(pc) =	sbr.rel .LBB2_2-.Ltmp4, $4  }
0x1d2: {  	_ = 	snop  }
0x1d3: {  	s30 =	rddreg [dreg:$0x9];
	s31 =	simm.s32 $0x80;
	s28 =	sadd.s32 $0x3000, s28  }
0x1d4: {  	s26 =	sadd.s32 $0x3000, s26;
	s30 =	sadd.s32 s29, s30;
	s29 =	sadd.s32 $0x20, s29  }
0x1d5: {  	[tilespmem:s31], [sflag:$0x6] =	stream.linear.gather [hbm4b:s30+s4], $0x80, $0x38;
	[tilespmem:$0x18100] =	vst v63  }
.LBB2_6:
0x1d6: {  	_ =	swait.ge [sflag:s25], $0xC000  }
0x1d7: {  	[sflag:s25] =	ssyncset.done $0x0  }
0x1d8: {  	s26 =	simm.s32 $0x4;
	[sflag:s25] =	ssyncadd.s32 $0xFFFF4000  }
0x1d9: {  	_ =	swait.ge [sflag:s26], $0xC000  }
0x1da: {  	[sflag:s26] =	ssyncset.done $0x0  }
0x1db: {  	s28 =	rddreg [dreg:$0x6];
	[sflag:s26] =	ssyncadd.s32 $0xFFFF4000;
	s26 =	simm.s32 $0x0  }
0x1dc: {  	[tilespmem:s26], [sflag:$0x5] =	stream.linear.gather [hbm4b:s28+s26], $0x80, $0x38;
	[tilespmem:$0x18100] =	vst v63  }
0x1dd: {  	s29 =	simm.s32 $0x80;
	s28 =	rddreg [dreg:$0x7]  }
0x1de: {  	[tilespmem:s29], [sflag:$0x6] =	stream.linear.gather [hbm4b:s28+s26], $0x80, $0x38;
	[tilespmem:$0x18100] =	vst v63  }
0x1df: {  	_ =	swait.ge [sflag:s21], $0x80  }
0x1e0: {  	[sflag:s21] =	ssyncset.done $0x0  }
0x1e1: {  	[sflag:s21] =	ssyncadd.s32 $0xFFFFFF80  }
0x1e2: {  	v3 =	vld [tilespmem:$0x0];
	_ =	sdelay $0x4  }
0x1e3: {  	v4 =	vshrl.u32 v3, $0x3  }
0x1e4: {  	v4 =	vmul.u32 $0x18, v4  }
0x1e5: {  	v3 =	vand.u32 $0x7, v3  }
0x1e6: {  	v3 =	vor.u32 v3, v4  }
0x1e7: {  	v4 =	vperm.xlane v3, v0;
	_ =	sdelay $0x1  }
0x1e8: {  	v4 =	vadd.s32 v1, v4;
	_ =	sdelay $0x1  }
0x1e9: {  	v3 =	vperm.xlane v3, v2;
	_ =	sdelay $0x1  }
0x1ea: {  	v3 =	vadd.s32 v1, v3  }
0x1eb: {  	[tilespmem:s22], [sflag:$0x1] =	stream.indirect_vreg.gather [hbm4b:s3+s26], $0x80, v4, vm0, $0xb8;
	[tilespmem:$0x18100] =	vst v63  }
0x1ec: {  	s28 =	simm.s32 $0x900  }
0x1ed: {  	[tilespmem:s28], [sflag:$0x1] =	stream.indirect_vreg.gather [hbm4b:s10+s26], $0x80, v4, vm1, $0xb8;
	[tilespmem:$0x18100] =	vst v63  }
0x1ee: {  	s28 =	simm.s32 $0xD00  }
0x1ef: {  	[tilespmem:s28], [sflag:$0x1] =	stream.indirect_vreg.gather [hbm4b:s3+s26], $0x80, v3, vm0, $0xb8;
	[tilespmem:$0x18100] =	vst v63  }
0x1f0: {  	s28 =	simm.s32 $0x1500  }
0x1f1: {  	[tilespmem:s28], [sflag:$0x1] =	stream.indirect_vreg.gather [hbm4b:s10+s26], $0x80, v3, vm1, $0xb8;
	[tilespmem:$0x18100] =	vst v63  }
0x1f2: {  	v3 =	vld [tilespmem:$0x10];
	_ =	sdelay $0x4  }
0x1f3: {  	v57 =	vshrl.u32 v3, $0x3  }
0x1f4: {  	v4 =	vmul.u32 $0x18, v57  }
0x1f5: {  	v3 =	vand.u32 $0x7, v3  }
0x1f6: {  	v3 =	vor.u32 v3, v4  }
0x1f7: {  	v4 =	vperm.xlane v3, v0;
	_ =	sdelay $0x1  }
0x1f8: {  	v4 =	vadd.s32 v1, v4;
	_ =	sdelay $0x1  }
0x1f9: {  	v3 =	vperm.xlane v3, v2;
	_ =	sdelay $0x1  }
0x1fa: {  	s28 =	simm.s32 $0x1900;
	v3 =	vadd.s32 v1, v3  }
0x1fb: {  	[tilespmem:s28], [sflag:$0x1] =	stream.indirect_vreg.gather [hbm4b:s3+s26], $0x80, v4, vm0, $0xb8;
	[tilespmem:$0x18100] =	vst v63  }
0x1fc: {  	s28 =	simm.s32 $0x2100  }
0x1fd: {  	[tilespmem:s28], [sflag:$0x1] =	stream.indirect_vreg.gather [hbm4b:s10+s26], $0x80, v4, vm1, $0xb8;
	[tilespmem:$0x18100] =	vst v63  }
0x1fe: {  	s28 =	simm.s32 $0x2500  }
0x1ff: {  	[tilespmem:s28], [sflag:$0x1] =	stream.indirect_vreg.gather [hbm4b:s3+s26], $0x80, v3, vm0, $0xb8;
	[tilespmem:$0x18100] =	vst v63  }
0x200: {  	s28 =	simm.s32 $0x2D00  }
0x201: {  	[tilespmem:s28], [sflag:$0x1] =	stream.indirect_vreg.gather [hbm4b:s10+s26], $0x80, v3, vm1, $0xb8;
	[tilespmem:$0x18100] =	vst v63  }
0x202: {  	v3 =	vld [tilespmem:$0x20];
	_ =	sdelay $0x4  }
0x203: {  	v58 =	vshrl.u32 v3, $0x3  }
0x204: {  	v4 =	vmul.u32 $0x18, v58  }
0x205: {  	v3 =	vand.u32 $0x7, v3  }
0x206: {  	v3 =	vor.u32 v3, v4  }
0x207: {  	v4 =	vperm.xlane v3, v0;
	_ =	sdelay $0x1  }
0x208: {  	v4 =	vadd.s32 v1, v4;
	_ =	sdelay $0x1  }
0x209: {  	v3 =	vperm.xlane v3, v2;
	_ =	sdelay $0x1  }
0x20a: {  	s28 =	simm.s32 $0x3100;
	v3 =	vadd.s32 v1, v3  }
0x20b: {  	[tilespmem:s28], [sflag:$0x1] =	stream.indirect_vreg.gather [hbm4b:s3+s26], $0x80, v4, vm0, $0xb8;
	[tilespmem:$0x18100] =	vst v63  }
0x20c: {  	s28 =	simm.s32 $0x3900  }
0x20d: {  	[tilespmem:s28], [sflag:$0x1] =	stream.indirect_vreg.gather [hbm4b:s10+s26], $0x80, v4, vm1, $0xb8;
	[tilespmem:$0x18100] =	vst v63  }
0x20e: {  	s28 =	simm.s32 $0x3D00  }
0x20f: {  	[tilespmem:s28], [sflag:$0x1] =	stream.indirect_vreg.gather [hbm4b:s3+s26], $0x80, v3, vm0, $0xb8;
	[tilespmem:$0x18100] =	vst v63  }
0x210: {  	s28 =	simm.s32 $0x4500  }
0x211: {  	[tilespmem:s28], [sflag:$0x1] =	stream.indirect_vreg.gather [hbm4b:s10+s26], $0x80, v3, vm1, $0xb8;
	[tilespmem:$0x18100] =	vst v63  }
0x212: {  	v3 =	vld [tilespmem:$0x30];
	_ =	sdelay $0x4  }
0x213: {  	v59 =	vshrl.u32 v3, $0x3  }
0x214: {  	v4 =	vmul.u32 $0x18, v59  }
0x215: {  	v3 =	vand.u32 $0x7, v3  }
0x216: {  	v3 =	vor.u32 v3, v4  }
0x217: {  	v4 =	vperm.xlane v3, v0;
	_ =	sdelay $0x1  }
0x218: {  	v4 =	vadd.s32 v1, v4;
	_ =	sdelay $0x1  }
0x219: {  	v3 =	vperm.xlane v3, v2;
	_ =	sdelay $0x1  }
0x21a: {  	s28 =	simm.s32 $0x4900;
	v3 =	vadd.s32 v1, v3  }
0x21b: {  	[tilespmem:s28], [sflag:$0x1] =	stream.indirect_vreg.gather [hbm4b:s3+s26], $0x80, v4, vm0, $0xb8;
	[tilespmem:$0x18100] =	vst v63  }
0x21c: {  	s28 =	simm.s32 $0x5100  }
0x21d: {  	[tilespmem:s28], [sflag:$0x1] =	stream.indirect_vreg.gather [hbm4b:s10+s26], $0x80, v4, vm1, $0xb8;
	[tilespmem:$0x18100] =	vst v63  }
0x21e: {  	s28 =	simm.s32 $0x5500  }
0x21f: {  	[tilespmem:s28], [sflag:$0x1] =	stream.indirect_vreg.gather [hbm4b:s3+s26], $0x80, v3, vm0, $0xb8;
	[tilespmem:$0x18100] =	vst v63  }
0x220: {  	s28 =	simm.s32 $0x5D00  }
0x221: {  	[tilespmem:s28], [sflag:$0x1] =	stream.indirect_vreg.gather [hbm4b:s10+s26], $0x80, v3, vm1, $0xb8;
	[tilespmem:$0x18100] =	vst v63  }
0x222: {  	v3 =	vld [tilespmem:$0x40];
	_ =	sdelay $0x4  }
0x223: {  	v60 =	vshrl.u32 v3, $0x3  }
0x224: {  	v4 =	vmul.u32 $0x18, v60  }
0x225: {  	v3 =	vand.u32 $0x7, v3  }
0x226: {  	v3 =	vor.u32 v3, v4  }
0x227: {  	v4 =	vperm.xlane v3, v0;
	_ =	sdelay $0x1  }
0x228: {  	v4 =	vadd.s32 v1, v4;
	_ =	sdelay $0x1  }
0x229: {  	v3 =	vperm.xlane v3, v2;
	_ =	sdelay $0x1  }
0x22a: {  	s28 =	simm.s32 $0x6100;
	v3 =	vadd.s32 v1, v3  }
0x22b: {  	[tilespmem:s28], [sflag:$0x1] =	stream.indirect_vreg.gather [hbm4b:s3+s26], $0x80, v4, vm0, $0xb8;
	[tilespmem:$0x18100] =	vst v63  }
0x22c: {  	s28 =	simm.s32 $0x6900  }
0x22d: {  	[tilespmem:s28], [sflag:$0x1] =	stream.indirect_vreg.gather [hbm4b:s10+s26], $0x80, v4, vm1, $0xb8;
	[tilespmem:$0x18100] =	vst v63  }
0x22e: {  	s28 =	simm.s32 $0x6D00  }
0x22f: {  	[tilespmem:s28], [sflag:$0x1] =	stream.indirect_vreg.gather [hbm4b:s3+s26], $0x80, v3, vm0, $0xb8;
	[tilespmem:$0x18100] =	vst v63  }
0x230: {  	s28 =	simm.s32 $0x7500  }
0x231: {  	[tilespmem:s28], [sflag:$0x1] =	stream.indirect_vreg.gather [hbm4b:s10+s26], $0x80, v3, vm1, $0xb8;
	[tilespmem:$0x18100] =	vst v63  }
0x232: {  	v3 =	vld [tilespmem:$0x50];
	_ =	sdelay $0x4  }
0x233: {  	v61 =	vshrl.u32 v3, $0x3  }
0x234: {  	v4 =	vmul.u32 $0x18, v61  }
0x235: {  	v3 =	vand.u32 $0x7, v3  }
0x236: {  	v3 =	vor.u32 v3, v4  }
0x237: {  	v4 =	vperm.xlane v3, v0;
	_ =	sdelay $0x1  }
0x238: {  	v4 =	vadd.s32 v1, v4;
	_ =	sdelay $0x1  }
0x239: {  	v3 =	vperm.xlane v3, v2;
	_ =	sdelay $0x1  }
0x23a: {  	s28 =	simm.s32 $0x7900;
	v3 =	vadd.s32 v1, v3  }
0x23b: {  	[tilespmem:s28], [sflag:$0x1] =	stream.indirect_vreg.gather [hbm4b:s3+s26], $0x80, v4, vm0, $0xb8;
	[tilespmem:$0x18100] =	vst v63  }
0x23c: {  	s28 =	simm.s32 $0x8100  }
0x23d: {  	[tilespmem:s28], [sflag:$0x1] =	stream.indirect_vreg.gather [hbm4b:s10+s26], $0x80, v4, vm1, $0xb8;
	[tilespmem:$0x18100] =	vst v63  }
0x23e: {  	s28 =	simm.s32 $0x8500  }
0x23f: {  	[tilespmem:s28], [sflag:$0x1] =	stream.indirect_vreg.gather [hbm4b:s3+s26], $0x80, v3, vm0, $0xb8;
	[tilespmem:$0x18100] =	vst v63  }
0x240: {  	s28 =	simm.s32 $0x8D00  }
0x241: {  	[tilespmem:s28], [sflag:$0x1] =	stream.indirect_vreg.gather [hbm4b:s10+s26], $0x80, v3, vm1, $0xb8;
	[tilespmem:$0x18100] =	vst v63  }
0x242: {  	v3 =	vld [tilespmem:$0x60];
	_ =	sdelay $0x4  }
0x243: {  	v62 =	vshrl.u32 v3, $0x3  }
0x244: {  	v4 =	vmul.u32 $0x18, v62  }
0x245: {  	v3 =	vand.u32 $0x7, v3  }
0x246: {  	v3 =	vor.u32 v3, v4  }
0x247: {  	v4 =	vperm.xlane v3, v0;
	_ =	sdelay $0x1  }
0x248: {  	v4 =	vadd.s32 v1, v4;
	_ =	sdelay $0x1  }
0x249: {  	v3 =	vperm.xlane v3, v2;
	_ =	sdelay $0x1  }
0x24a: {  	s28 =	simm.s32 $0x9100;
	v3 =	vadd.s32 v1, v3  }
0x24b: {  	[tilespmem:s28], [sflag:$0x1] =	stream.indirect_vreg.gather [hbm4b:s3+s26], $0x80, v4, vm0, $0xb8;
	[tilespmem:$0x18100] =	vst v63  }
0x24c: {  	s28 =	simm.s32 $0x9900  }
0x24d: {  	[tilespmem:s28], [sflag:$0x1] =	stream.indirect_vreg.gather [hbm4b:s10+s26], $0x80, v4, vm1, $0xb8;
	[tilespmem:$0x18100] =	vst v63  }
0x24e: {  	s28 =	simm.s32 $0x9D00  }
0x24f: {  	[tilespmem:s28], [sflag:$0x1] =	stream.indirect_vreg.gather [hbm4b:s3+s26], $0x80, v3, vm0, $0xb8;
	[tilespmem:$0x18100] =	vst v63  }
0x250: {  	s28 =	simm.s32 $0xA500  }
0x251: {  	[tilespmem:s28], [sflag:$0x1] =	stream.indirect_vreg.gather [hbm4b:s10+s26], $0x80, v3, vm1, $0xb8;
	[tilespmem:$0x18100] =	vst v63  }
0x252: {  	v3 =	vld [tilespmem:$0x70];
	_ =	sdelay $0x4  }
0x253: {  	v63 =	vshrl.u32 v3, $0x3  }
0x254: {  	v4 =	vmul.u32 $0x18, v63  }
0x255: {  	v3 =	vand.u32 $0x7, v3  }
0x256: {  	v3 =	vor.u32 v3, v4  }
0x257: {  	v4 =	vperm.xlane v3, v0;
	_ =	sdelay $0x1  }
0x258: {  	v4 =	vadd.s32 v1, v4;
	_ =	sdelay $0x1  }
0x259: {  	v3 =	vperm.xlane v3, v2;
	_ =	sdelay $0x1  }
0x25a: {  	s28 =	simm.s32 $0xA900;
	v3 =	vadd.s32 v1, v3  }
0x25b: {  	[tilespmem:s28], [sflag:$0x1] =	stream.indirect_vreg.gather [hbm4b:s3+s26], $0x80, v4, vm0, $0xb8;
	[tilespmem:$0x18100] =	vst v63  }
0x25c: {  	s28 =	simm.s32 $0xB100  }
0x25d: {  	[tilespmem:s28], [sflag:$0x1] =	stream.indirect_vreg.gather [hbm4b:s10+s26], $0x80, v4, vm1, $0xb8;
	[tilespmem:$0x18100] =	vst v63  }
0x25e: {  	s28 =	simm.s32 $0xB500  }
0x25f: {  	[tilespmem:s28], [sflag:$0x1] =	stream.indirect_vreg.gather [hbm4b:s3+s26], $0x80, v3, vm0, $0xb8;
	[tilespmem:$0x18100] =	vst v63  }
0x260: {  	s29 =	rddreg [dreg:$0xe];
	s28 =	simm.s32 $0xBD00  }
0x261: {  	[tilespmem:s28], [sflag:$0x1] =	stream.indirect_vreg.gather [hbm4b:s10+s26], $0x80, v3, vm1, $0xb8;
	[tilespmem:$0x18100] =	vst v63  }
0x262: {  	s28 =	rddreg [dreg:$0x10]  }
.LBB2_7:
0x263: {  	p0 =	seq.s32 s26, $0x0  }
0x264: {  	s30 =	simm.s32 @!p0 $0x4  }
0x265: {  	_ =	swait.ge @!p0 [sflag:s30], $0xC000  }
0x266: {  	[sflag:s30] =	ssyncset.done @!p0 $0x0  }
0x267: {  	[sflag:s30] =	ssyncadd.s32 @!p0 $0xFFFF4000  }
0x268: {  	_ =	swait.ge [sflag:s6], $0x80  }
0x269: {  	[sflag:s6] =	ssyncset.done $0x0  }
0x26a: {  	[sflag:s6] =	ssyncadd.s32 $0xFFFFFF80  }
0x26b: {  	v3 =	vld [tilespmem:$0x80];
	_ =	sdelay $0x4  }
0x26c: {  	v4 =	vshrl.u32 v3, $0x3  }
0x26d: {  	v4 =	vmul.u32 $0x18, v4  }
0x26e: {  	v3 =	vand.u32 $0x7, v3  }
0x26f: {  	v3 =	vor.u32 v3, v4  }
0x270: {  	v4 =	vperm.xlane v3, v0;
	_ =	sdelay $0x1  }
0x271: {  	v4 =	vadd.s32 v1, v4;
	_ =	sdelay $0x1  }
0x272: {  	v3 =	vperm.xlane v3, v2;
	_ =	sdelay $0x1  }
0x273: {  	v3 =	vadd.s32 v1, v3  }
0x274: {  	[tilespmem:s9], [sflag:$0x2] =	stream.indirect_vreg.gather [hbm4b:s3+s4], $0x80, v4, vm0, $0xb8;
	[tilespmem:$0x18100] =	vst v63  }
0x275: {  	s31 =	simm.s32 $0xC900  }
0x276: {  	[tilespmem:s31], [sflag:$0x2] =	stream.indirect_vreg.gather [hbm4b:s10+s4], $0x80, v4, vm1, $0xb8;
	[tilespmem:$0x18100] =	vst v63  }
0x277: {  	s31 =	simm.s32 $0xCD00  }
0x278: {  	[tilespmem:s31], [sflag:$0x2] =	stream.indirect_vreg.gather [hbm4b:s3+s4], $0x80, v3, vm0, $0xb8;
	[tilespmem:$0x18100] =	vst v63  }
0x279: {  	s31 =	simm.s32 $0xD500  }
0x27a: {  	[tilespmem:s31], [sflag:$0x2] =	stream.indirect_vreg.gather [hbm4b:s10+s4], $0x80, v3, vm1, $0xb8;
	[tilespmem:$0x18100] =	vst v63  }
0x27b: {  	v3 =	vld [tilespmem:$0x90];
	_ =	sdelay $0x4  }
0x27c: {  	v57 =	vshrl.u32 v3, $0x3  }
0x27d: {  	v4 =	vmul.u32 $0x18, v57  }
0x27e: {  	v3 =	vand.u32 $0x7, v3  }
0x27f: {  	v3 =	vor.u32 v3, v4  }
0x280: {  	v4 =	vperm.xlane v3, v0;
	_ =	sdelay $0x1  }
0x281: {  	v4 =	vadd.s32 v1, v4;
	_ =	sdelay $0x1  }
0x282: {  	v3 =	vperm.xlane v3, v2;
	_ =	sdelay $0x1  }
0x283: {  	s31 =	simm.s32 $0xD900;
	v3 =	vadd.s32 v1, v3  }
0x284: {  	[tilespmem:s31], [sflag:$0x2] =	stream.indirect_vreg.gather [hbm4b:s3+s4], $0x80, v4, vm0, $0xb8;
	[tilespmem:$0x18100] =	vst v63  }
0x285: {  	s31 =	simm.s32 $0xE100  }
0x286: {  	[tilespmem:s31], [sflag:$0x2] =	stream.indirect_vreg.gather [hbm4b:s10+s4], $0x80, v4, vm1, $0xb8;
	[tilespmem:$0x18100] =	vst v63  }
0x287: {  	s31 =	simm.s32 $0xE500  }
0x288: {  	[tilespmem:s31], [sflag:$0x2] =	stream.indirect_vreg.gather [hbm4b:s3+s4], $0x80, v3, vm0, $0xb8;
	[tilespmem:$0x18100] =	vst v63  }
0x289: {  	s31 =	simm.s32 $0xED00  }
0x28a: {  	[tilespmem:s31], [sflag:$0x2] =	stream.indirect_vreg.gather [hbm4b:s10+s4], $0x80, v3, vm1, $0xb8;
	[tilespmem:$0x18100] =	vst v63  }
0x28b: {  	v3 =	vld [tilespmem:$0xA0];
	_ =	sdelay $0x4  }
0x28c: {  	v58 =	vshrl.u32 v3, $0x3  }
0x28d: {  	v4 =	vmul.u32 $0x18, v58  }
0x28e: {  	v3 =	vand.u32 $0x7, v3  }
0x28f: {  	v3 =	vor.u32 v3, v4  }
0x290: {  	v4 =	vperm.xlane v3, v0;
	_ =	sdelay $0x1  }
0x291: {  	v4 =	vadd.s32 v1, v4;
	_ =	sdelay $0x1  }
0x292: {  	v3 =	vperm.xlane v3, v2;
	_ =	sdelay $0x1  }
0x293: {  	s31 =	simm.s32 $0xF100;
	v3 =	vadd.s32 v1, v3  }
0x294: {  	[tilespmem:s31], [sflag:$0x2] =	stream.indirect_vreg.gather [hbm4b:s3+s4], $0x80, v4, vm0, $0xb8;
	[tilespmem:$0x18100] =	vst v63  }
0x295: {  	s31 =	simm.s32 $0xF900  }
0x296: {  	[tilespmem:s31], [sflag:$0x2] =	stream.indirect_vreg.gather [hbm4b:s10+s4], $0x80, v4, vm1, $0xb8;
	[tilespmem:$0x18100] =	vst v63  }
0x297: {  	s31 =	simm.s32 $0xFD00  }
0x298: {  	[tilespmem:s31], [sflag:$0x2] =	stream.indirect_vreg.gather [hbm4b:s3+s4], $0x80, v3, vm0, $0xb8;
	[tilespmem:$0x18100] =	vst v63  }
0x299: {  	s31 =	simm.s32 $0x10500  }
0x29a: {  	[tilespmem:s31], [sflag:$0x2] =	stream.indirect_vreg.gather [hbm4b:s10+s4], $0x80, v3, vm1, $0xb8;
	[tilespmem:$0x18100] =	vst v63  }
0x29b: {  	v3 =	vld [tilespmem:$0xB0];
	_ =	sdelay $0x4  }
0x29c: {  	v59 =	vshrl.u32 v3, $0x3  }
0x29d: {  	v4 =	vmul.u32 $0x18, v59  }
0x29e: {  	v3 =	vand.u32 $0x7, v3  }
0x29f: {  	v3 =	vor.u32 v3, v4  }
0x2a0: {  	v4 =	vperm.xlane v3, v0;
	_ =	sdelay $0x1  }
0x2a1: {  	v4 =	vadd.s32 v1, v4;
	_ =	sdelay $0x1  }
0x2a2: {  	v3 =	vperm.xlane v3, v2;
	_ =	sdelay $0x1  }
0x2a3: {  	s31 =	simm.s32 $0x10900;
	v3 =	vadd.s32 v1, v3  }
0x2a4: {  	[tilespmem:s31], [sflag:$0x2] =	stream.indirect_vreg.gather [hbm4b:s3+s4], $0x80, v4, vm0, $0xb8;
	[tilespmem:$0x18100] =	vst v63  }
0x2a5: {  	s31 =	simm.s32 $0x11100  }
0x2a6: {  	[tilespmem:s31], [sflag:$0x2] =	stream.indirect_vreg.gather [hbm4b:s10+s4], $0x80, v4, vm1, $0xb8;
	[tilespmem:$0x18100] =	vst v63  }
0x2a7: {  	s31 =	simm.s32 $0x11500  }
0x2a8: {  	[tilespmem:s31], [sflag:$0x2] =	stream.indirect_vreg.gather [hbm4b:s3+s4], $0x80, v3, vm0, $0xb8;
	[tilespmem:$0x18100] =	vst v63  }
0x2a9: {  	s31 =	simm.s32 $0x11D00  }
0x2aa: {  	[tilespmem:s31], [sflag:$0x2] =	stream.indirect_vreg.gather [hbm4b:s10+s4], $0x80, v3, vm1, $0xb8;
	[tilespmem:$0x18100] =	vst v63  }
0x2ab: {  	v3 =	vld [tilespmem:$0xC0];
	_ =	sdelay $0x4  }
0x2ac: {  	v60 =	vshrl.u32 v3, $0x3  }
0x2ad: {  	v4 =	vmul.u32 $0x18, v60  }
0x2ae: {  	v3 =	vand.u32 $0x7, v3  }
0x2af: {  	v3 =	vor.u32 v3, v4  }
0x2b0: {  	v4 =	vperm.xlane v3, v0;
	_ =	sdelay $0x1  }
0x2b1: {  	v4 =	vadd.s32 v1, v4;
	_ =	sdelay $0x1  }
0x2b2: {  	v3 =	vperm.xlane v3, v2;
	_ =	sdelay $0x1  }
0x2b3: {  	s31 =	simm.s32 $0x12100;
	v3 =	vadd.s32 v1, v3  }
0x2b4: {  	[tilespmem:s31], [sflag:$0x2] =	stream.indirect_vreg.gather [hbm4b:s3+s4], $0x80, v4, vm0, $0xb8;
	[tilespmem:$0x18100] =	vst v63  }
0x2b5: {  	s31 =	simm.s32 $0x12900  }
0x2b6: {  	[tilespmem:s31], [sflag:$0x2] =	stream.indirect_vreg.gather [hbm4b:s10+s4], $0x80, v4, vm1, $0xb8;
	[tilespmem:$0x18100] =	vst v63  }
0x2b7: {  	_ = 	snop  }
0x2b8: {  	[tilespmem:s1], [sflag:$0x2] =	stream.indirect_vreg.gather [hbm4b:s3+s4], $0x80, v3, vm0, $0xb8;
	[tilespmem:$0x18100] =	vst v63  }
0x2b9: {  	_ = 	snop  }
0x2ba: {  	[tilespmem:s0], [sflag:$0x2] =	stream.indirect_vreg.gather [hbm4b:s10+s4], $0x80, v3, vm1, $0xb8;
	[tilespmem:$0x18100] =	vst v63  }
0x2bb: {  	v3 =	vld [tilespmem:$0xD0];
	_ =	sdelay $0x4  }
0x2bc: {  	v61 =	vshrl.u32 v3, $0x3  }
0x2bd: {  	v4 =	vmul.u32 $0x18, v61  }
0x2be: {  	v3 =	vand.u32 $0x7, v3  }
0x2bf: {  	v3 =	vor.u32 v3, v4  }
0x2c0: {  	v4 =	vperm.xlane v3, v0;
	_ =	sdelay $0x1  }
0x2c1: {  	v4 =	vadd.s32 v1, v4;
	_ =	sdelay $0x1  }
0x2c2: {  	v3 =	vperm.xlane v3, v2;
	_ =	sdelay $0x1  }
0x2c3: {  	v3 =	vadd.s32 v1, v3  }
0x2c4: {  	[tilespmem:s12], [sflag:$0x2] =	stream.indirect_vreg.gather [hbm4b:s3+s4], $0x80, v4, vm0, $0xb8;
	[tilespmem:$0x18100] =	vst v63  }
0x2c5: {  	_ = 	snop  }
0x2c6: {  	[tilespmem:s16], [sflag:$0x2] =	stream.indirect_vreg.gather [hbm4b:s10+s4], $0x80, v4, vm1, $0xb8;
	[tilespmem:$0x18100] =	vst v63  }
0x2c7: {  	_ = 	snop  }
0x2c8: {  	[tilespmem:s20], [sflag:$0x2] =	stream.indirect_vreg.gather [hbm4b:s3+s4], $0x80, v3, vm0, $0xb8;
	[tilespmem:$0x18100] =	vst v63  }
0x2c9: {  	_ = 	snop  }
0x2ca: {  	[tilespmem:s11], [sflag:$0x2] =	stream.indirect_vreg.gather [hbm4b:s10+s4], $0x80, v3, vm1, $0xb8;
	[tilespmem:$0x18100] =	vst v63  }
0x2cb: {  	v3 =	vld [tilespmem:$0xE0];
	_ =	sdelay $0x4  }
0x2cc: {  	v62 =	vshrl.u32 v3, $0x3  }
0x2cd: {  	v4 =	vmul.u32 $0x18, v62  }
0x2ce: {  	v3 =	vand.u32 $0x7, v3  }
0x2cf: {  	v3 =	vor.u32 v3, v4  }
0x2d0: {  	v4 =	vperm.xlane v3, v0;
	_ =	sdelay $0x1  }
0x2d1: {  	v4 =	vadd.s32 v1, v4;
	_ =	sdelay $0x1  }
0x2d2: {  	v3 =	vperm.xlane v3, v2;
	_ =	sdelay $0x1  }
0x2d3: {  	v3 =	vadd.s32 v1, v3  }
0x2d4: {  	[tilespmem:s5], [sflag:$0x2] =	stream.indirect_vreg.gather [hbm4b:s3+s4], $0x80, v4, vm0, $0xb8;
	[tilespmem:$0x18100] =	vst v63  }
0x2d5: {  	_ = 	snop  }
0x2d6: {  	[tilespmem:s13], [sflag:$0x2] =	stream.indirect_vreg.gather [hbm4b:s10+s4], $0x80, v4, vm1, $0xb8;
	[tilespmem:$0x18100] =	vst v63  }
0x2d7: {  	_ = 	snop  }
0x2d8: {  	[tilespmem:s8], [sflag:$0x2] =	stream.indirect_vreg.gather [hbm4b:s3+s4], $0x80, v3, vm0, $0xb8;
	[tilespmem:$0x18100] =	vst v63  }
0x2d9: {  	_ = 	snop  }
0x2da: {  	[tilespmem:s15], [sflag:$0x2] =	stream.indirect_vreg.gather [hbm4b:s10+s4], $0x80, v3, vm1, $0xb8;
	[tilespmem:$0x18100] =	vst v63  }
0x2db: {  	v3 =	vld [tilespmem:$0xF0];
	_ =	sdelay $0x4  }
0x2dc: {  	v63 =	vshrl.u32 v3, $0x3  }
0x2dd: {  	v4 =	vmul.u32 $0x18, v63  }
0x2de: {  	v3 =	vand.u32 $0x7, v3  }
0x2df: {  	v3 =	vor.u32 v3, v4  }
0x2e0: {  	v4 =	vperm.xlane v3, v0;
	_ =	sdelay $0x1  }
0x2e1: {  	v4 =	vadd.s32 v1, v4;
	_ =	sdelay $0x1  }
0x2e2: {  	v3 =	vperm.xlane v3, v2;
	_ =	sdelay $0x1  }
0x2e3: {  	v3 =	vadd.s32 v1, v3  }
0x2e4: {  	[tilespmem:s17], [sflag:$0x2] =	stream.indirect_vreg.gather [hbm4b:s3+s4], $0x80, v4, vm0, $0xb8;
	[tilespmem:$0x18100] =	vst v63  }
0x2e5: {  	_ = 	snop  }
0x2e6: {  	[tilespmem:s19], [sflag:$0x2] =	stream.indirect_vreg.gather [hbm4b:s10+s4], $0x80, v4, vm1, $0xb8;
	[tilespmem:$0x18100] =	vst v63  }
0x2e7: {  	_ = 	snop  }
0x2e8: {  	[tilespmem:s14], [sflag:$0x2] =	stream.indirect_vreg.gather [hbm4b:s3+s4], $0x80, v3, vm0, $0xb8;
	[tilespmem:$0x18100] =	vst v63  }
0x2e9: {  	p0 =	seq.s32 s26, $0x31E0  }
0x2ea: {  	[tilespmem:s18], [sflag:$0x2] =	stream.indirect_vreg.gather [hbm4b:s10+s4], $0x80, v3, vm1, $0xb8;
	[tilespmem:$0x18100] =	vst v63  }
.Ltmp5:
0x2eb: {  	_ = 	snop;
	(pc) =	sbr.rel @p0 .LBB2_9-.Ltmp5, $4  }
0x2ec: {  	_ =	swait.ge [sflag:s23], $0xC000  }
0x2ed: {  	[sflag:s23] =	ssyncset.done $0x0  }
0x2ee: {  	[sflag:s23] =	ssyncadd.s32 $0xFFFF4000  }
0x2ef: {  	[hbm4b:s28+s4] =	stream.linear.scatter [tilespmem:s22], [sflag:$0x3], $0xC000, $0x38;
	[tilespmem:$0x18100] =	vst v63  }
0x2f0: {  	s30 =	rddreg [dreg:$0xf]  }
0x2f1: {  	s30 =	sadd.s32 s26, s30  }
0x2f2: {  	[tilespmem:s4], [sflag:$0x5] =	stream.linear.gather [hbm4b:s30+s4], $0x80, $0x38;
	[tilespmem:$0x18100] =	vst v63  }
0x2f3: {  	_ =	swait.ge [sflag:s25], $0xC000  }
0x2f4: {  	[sflag:s25] =	ssyncset.done $0x0  }
0x2f5: {  	[sflag:s25] =	ssyncadd.s32 $0xFFFF4000  }
0x2f6: {  	_ =	swait.ge [sflag:s21], $0x80  }
0x2f7: {  	[sflag:s21] =	ssyncset.done $0x0  }
0x2f8: {  	[sflag:s21] =	ssyncadd.s32 $0xFFFFFF80  }
0x2f9: {  	v3 =	vld [tilespmem:$0x0];
	_ =	sdelay $0x4  }
0x2fa: {  	v4 =	vshrl.u32 v3, $0x3  }
0x2fb: {  	v4 =	vmul.u32 $0x18, v4  }
0x2fc: {  	v3 =	vand.u32 $0x7, v3  }
0x2fd: {  	v3 =	vor.u32 v3, v4  }
0x2fe: {  	v4 =	vperm.xlane v3, v0;
	_ =	sdelay $0x1  }
0x2ff: {  	v4 =	vadd.s32 v1, v4;
	_ =	sdelay $0x1  }
0x300: {  	v3 =	vperm.xlane v3, v2;
	_ =	sdelay $0x1  }
0x301: {  	v3 =	vadd.s32 v1, v3  }
0x302: {  	[tilespmem:s22], [sflag:$0x1] =	stream.indirect_vreg.gather [hbm4b:s3+s4], $0x80, v4, vm0, $0xb8;
	[tilespmem:$0x18100] =	vst v63  }
0x303: {  	s31 =	simm.s32 $0x900  }
0x304: {  	[tilespmem:s31], [sflag:$0x1] =	stream.indirect_vreg.gather [hbm4b:s10+s4], $0x80, v4, vm1, $0xb8;
	[tilespmem:$0x18100] =	vst v63  }
0x305: {  	s31 =	simm.s32 $0xD00  }
0x306: {  	[tilespmem:s31], [sflag:$0x1] =	stream.indirect_vreg.gather [hbm4b:s3+s4], $0x80, v3, vm0, $0xb8;
	[tilespmem:$0x18100] =	vst v63  }
0x307: {  	s31 =	simm.s32 $0x1500  }
0x308: {  	[tilespmem:s31], [sflag:$0x1] =	stream.indirect_vreg.gather [hbm4b:s10+s4], $0x80, v3, vm1, $0xb8;
	[tilespmem:$0x18100] =	vst v63  }
0x309: {  	v3 =	vld [tilespmem:$0x10];
	_ =	sdelay $0x4  }
0x30a: {  	v57 =	vshrl.u32 v3, $0x3  }
0x30b: {  	v4 =	vmul.u32 $0x18, v57  }
0x30c: {  	v3 =	vand.u32 $0x7, v3  }
0x30d: {  	v3 =	vor.u32 v3, v4  }
0x30e: {  	v4 =	vperm.xlane v3, v0;
	_ =	sdelay $0x1  }
0x30f: {  	v4 =	vadd.s32 v1, v4;
	_ =	sdelay $0x1  }
0x310: {  	v3 =	vperm.xlane v3, v2;
	_ =	sdelay $0x1  }
0x311: {  	s31 =	simm.s32 $0x1900;
	v3 =	vadd.s32 v1, v3  }
0x312: {  	[tilespmem:s31], [sflag:$0x1] =	stream.indirect_vreg.gather [hbm4b:s3+s4], $0x80, v4, vm0, $0xb8;
	[tilespmem:$0x18100] =	vst v63  }
0x313: {  	s31 =	simm.s32 $0x2100  }
0x314: {  	[tilespmem:s31], [sflag:$0x1] =	stream.indirect_vreg.gather [hbm4b:s10+s4], $0x80, v4, vm1, $0xb8;
	[tilespmem:$0x18100] =	vst v63  }
0x315: {  	s31 =	simm.s32 $0x2500  }
0x316: {  	[tilespmem:s31], [sflag:$0x1] =	stream.indirect_vreg.gather [hbm4b:s3+s4], $0x80, v3, vm0, $0xb8;
	[tilespmem:$0x18100] =	vst v63  }
0x317: {  	s31 =	simm.s32 $0x2D00  }
0x318: {  	[tilespmem:s31], [sflag:$0x1] =	stream.indirect_vreg.gather [hbm4b:s10+s4], $0x80, v3, vm1, $0xb8;
	[tilespmem:$0x18100] =	vst v63  }
0x319: {  	v3 =	vld [tilespmem:$0x20];
	_ =	sdelay $0x4  }
0x31a: {  	v58 =	vshrl.u32 v3, $0x3  }
0x31b: {  	v4 =	vmul.u32 $0x18, v58  }
0x31c: {  	v3 =	vand.u32 $0x7, v3  }
0x31d: {  	v3 =	vor.u32 v3, v4  }
0x31e: {  	v4 =	vperm.xlane v3, v0;
	_ =	sdelay $0x1  }
0x31f: {  	v4 =	vadd.s32 v1, v4;
	_ =	sdelay $0x1  }
0x320: {  	v3 =	vperm.xlane v3, v2;
	_ =	sdelay $0x1  }
0x321: {  	s31 =	simm.s32 $0x3100;
	v3 =	vadd.s32 v1, v3  }
0x322: {  	[tilespmem:s31], [sflag:$0x1] =	stream.indirect_vreg.gather [hbm4b:s3+s4], $0x80, v4, vm0, $0xb8;
	[tilespmem:$0x18100] =	vst v63  }
0x323: {  	s31 =	simm.s32 $0x3900  }
0x324: {  	[tilespmem:s31], [sflag:$0x1] =	stream.indirect_vreg.gather [hbm4b:s10+s4], $0x80, v4, vm1, $0xb8;
	[tilespmem:$0x18100] =	vst v63  }
0x325: {  	s31 =	simm.s32 $0x3D00  }
0x326: {  	[tilespmem:s31], [sflag:$0x1] =	stream.indirect_vreg.gather [hbm4b:s3+s4], $0x80, v3, vm0, $0xb8;
	[tilespmem:$0x18100] =	vst v63  }
0x327: {  	s31 =	simm.s32 $0x4500  }
0x328: {  	[tilespmem:s31], [sflag:$0x1] =	stream.indirect_vreg.gather [hbm4b:s10+s4], $0x80, v3, vm1, $0xb8;
	[tilespmem:$0x18100] =	vst v63  }
0x329: {  	v3 =	vld [tilespmem:$0x30];
	_ =	sdelay $0x4  }
0x32a: {  	v59 =	vshrl.u32 v3, $0x3  }
0x32b: {  	v4 =	vmul.u32 $0x18, v59  }
0x32c: {  	v3 =	vand.u32 $0x7, v3  }
0x32d: {  	v3 =	vor.u32 v3, v4  }
0x32e: {  	v4 =	vperm.xlane v3, v0;
	_ =	sdelay $0x1  }
0x32f: {  	v4 =	vadd.s32 v1, v4;
	_ =	sdelay $0x1  }
0x330: {  	v3 =	vperm.xlane v3, v2;
	_ =	sdelay $0x1  }
0x331: {  	s31 =	simm.s32 $0x4900;
	v3 =	vadd.s32 v1, v3  }
0x332: {  	[tilespmem:s31], [sflag:$0x1] =	stream.indirect_vreg.gather [hbm4b:s3+s4], $0x80, v4, vm0, $0xb8;
	[tilespmem:$0x18100] =	vst v63  }
0x333: {  	s31 =	simm.s32 $0x5100  }
0x334: {  	[tilespmem:s31], [sflag:$0x1] =	stream.indirect_vreg.gather [hbm4b:s10+s4], $0x80, v4, vm1, $0xb8;
	[tilespmem:$0x18100] =	vst v63  }
0x335: {  	s31 =	simm.s32 $0x5500  }
0x336: {  	[tilespmem:s31], [sflag:$0x1] =	stream.indirect_vreg.gather [hbm4b:s3+s4], $0x80, v3, vm0, $0xb8;
	[tilespmem:$0x18100] =	vst v63  }
0x337: {  	s31 =	simm.s32 $0x5D00  }
0x338: {  	[tilespmem:s31], [sflag:$0x1] =	stream.indirect_vreg.gather [hbm4b:s10+s4], $0x80, v3, vm1, $0xb8;
	[tilespmem:$0x18100] =	vst v63  }
0x339: {  	v3 =	vld [tilespmem:$0x40];
	_ =	sdelay $0x4  }
0x33a: {  	v60 =	vshrl.u32 v3, $0x3  }
0x33b: {  	v4 =	vmul.u32 $0x18, v60  }
0x33c: {  	v3 =	vand.u32 $0x7, v3  }
0x33d: {  	v3 =	vor.u32 v3, v4  }
0x33e: {  	v4 =	vperm.xlane v3, v0;
	_ =	sdelay $0x1  }
0x33f: {  	v4 =	vadd.s32 v1, v4;
	_ =	sdelay $0x1  }
0x340: {  	v3 =	vperm.xlane v3, v2;
	_ =	sdelay $0x1  }
0x341: {  	s31 =	simm.s32 $0x6100;
	v3 =	vadd.s32 v1, v3  }
0x342: {  	[tilespmem:s31], [sflag:$0x1] =	stream.indirect_vreg.gather [hbm4b:s3+s4], $0x80, v4, vm0, $0xb8;
	[tilespmem:$0x18100] =	vst v63  }
0x343: {  	s31 =	simm.s32 $0x6900  }
0x344: {  	[tilespmem:s31], [sflag:$0x1] =	stream.indirect_vreg.gather [hbm4b:s10+s4], $0x80, v4, vm1, $0xb8;
	[tilespmem:$0x18100] =	vst v63  }
0x345: {  	s31 =	simm.s32 $0x6D00  }
0x346: {  	[tilespmem:s31], [sflag:$0x1] =	stream.indirect_vreg.gather [hbm4b:s3+s4], $0x80, v3, vm0, $0xb8;
	[tilespmem:$0x18100] =	vst v63  }
0x347: {  	s31 =	simm.s32 $0x7500  }
0x348: {  	[tilespmem:s31], [sflag:$0x1] =	stream.indirect_vreg.gather [hbm4b:s10+s4], $0x80, v3, vm1, $0xb8;
	[tilespmem:$0x18100] =	vst v63  }
0x349: {  	v3 =	vld [tilespmem:$0x50];
	_ =	sdelay $0x4  }
0x34a: {  	v61 =	vshrl.u32 v3, $0x3  }
0x34b: {  	v4 =	vmul.u32 $0x18, v61  }
0x34c: {  	v3 =	vand.u32 $0x7, v3  }
0x34d: {  	v3 =	vor.u32 v3, v4  }
0x34e: {  	v4 =	vperm.xlane v3, v0;
	_ =	sdelay $0x1  }
0x34f: {  	v4 =	vadd.s32 v1, v4;
	_ =	sdelay $0x1  }
0x350: {  	v3 =	vperm.xlane v3, v2;
	_ =	sdelay $0x1  }
0x351: {  	s31 =	simm.s32 $0x7900;
	v3 =	vadd.s32 v1, v3  }
0x352: {  	[tilespmem:s31], [sflag:$0x1] =	stream.indirect_vreg.gather [hbm4b:s3+s4], $0x80, v4, vm0, $0xb8;
	[tilespmem:$0x18100] =	vst v63  }
0x353: {  	s31 =	simm.s32 $0x8100  }
0x354: {  	[tilespmem:s31], [sflag:$0x1] =	stream.indirect_vreg.gather [hbm4b:s10+s4], $0x80, v4, vm1, $0xb8;
	[tilespmem:$0x18100] =	vst v63  }
0x355: {  	s31 =	simm.s32 $0x8500  }
0x356: {  	[tilespmem:s31], [sflag:$0x1] =	stream.indirect_vreg.gather [hbm4b:s3+s4], $0x80, v3, vm0, $0xb8;
	[tilespmem:$0x18100] =	vst v63  }
0x357: {  	s31 =	simm.s32 $0x8D00  }
0x358: {  	[tilespmem:s31], [sflag:$0x1] =	stream.indirect_vreg.gather [hbm4b:s10+s4], $0x80, v3, vm1, $0xb8;
	[tilespmem:$0x18100] =	vst v63  }
0x359: {  	v3 =	vld [tilespmem:$0x60];
	_ =	sdelay $0x4  }
0x35a: {  	v62 =	vshrl.u32 v3, $0x3  }
0x35b: {  	v4 =	vmul.u32 $0x18, v62  }
0x35c: {  	v3 =	vand.u32 $0x7, v3  }
0x35d: {  	v3 =	vor.u32 v3, v4  }
0x35e: {  	v4 =	vperm.xlane v3, v0;
	_ =	sdelay $0x1  }
0x35f: {  	v4 =	vadd.s32 v1, v4;
	_ =	sdelay $0x1  }
0x360: {  	v3 =	vperm.xlane v3, v2;
	_ =	sdelay $0x1  }
0x361: {  	s31 =	simm.s32 $0x9100;
	v3 =	vadd.s32 v1, v3  }
0x362: {  	[tilespmem:s31], [sflag:$0x1] =	stream.indirect_vreg.gather [hbm4b:s3+s4], $0x80, v4, vm0, $0xb8;
	[tilespmem:$0x18100] =	vst v63  }
0x363: {  	s31 =	simm.s32 $0x9900  }
0x364: {  	[tilespmem:s31], [sflag:$0x1] =	stream.indirect_vreg.gather [hbm4b:s10+s4], $0x80, v4, vm1, $0xb8;
	[tilespmem:$0x18100] =	vst v63  }
0x365: {  	s31 =	simm.s32 $0x9D00  }
0x366: {  	[tilespmem:s31], [sflag:$0x1] =	stream.indirect_vreg.gather [hbm4b:s3+s4], $0x80, v3, vm0, $0xb8;
	[tilespmem:$0x18100] =	vst v63  }
0x367: {  	s31 =	simm.s32 $0xA500  }
0x368: {  	[tilespmem:s31], [sflag:$0x1] =	stream.indirect_vreg.gather [hbm4b:s10+s4], $0x80, v3, vm1, $0xb8;
	[tilespmem:$0x18100] =	vst v63  }
0x369: {  	v3 =	vld [tilespmem:$0x70];
	_ =	sdelay $0x4  }
0x36a: {  	v63 =	vshrl.u32 v3, $0x3  }
0x36b: {  	v4 =	vmul.u32 $0x18, v63  }
0x36c: {  	v3 =	vand.u32 $0x7, v3  }
0x36d: {  	v3 =	vor.u32 v3, v4  }
0x36e: {  	v4 =	vperm.xlane v3, v0;
	_ =	sdelay $0x1  }
0x36f: {  	v4 =	vadd.s32 v1, v4;
	_ =	sdelay $0x1  }
0x370: {  	v3 =	vperm.xlane v3, v2;
	_ =	sdelay $0x1  }
0x371: {  	s31 =	simm.s32 $0xA900;
	v3 =	vadd.s32 v1, v3  }
0x372: {  	[tilespmem:s31], [sflag:$0x1] =	stream.indirect_vreg.gather [hbm4b:s3+s4], $0x80, v4, vm0, $0xb8;
	[tilespmem:$0x18100] =	vst v63  }
0x373: {  	s31 =	simm.s32 $0xB100  }
0x374: {  	[tilespmem:s31], [sflag:$0x1] =	stream.indirect_vreg.gather [hbm4b:s10+s4], $0x80, v4, vm1, $0xb8;
	[tilespmem:$0x18100] =	vst v63  }
0x375: {  	s31 =	simm.s32 $0xB500  }
0x376: {  	[tilespmem:s31], [sflag:$0x1] =	stream.indirect_vreg.gather [hbm4b:s3+s4], $0x80, v3, vm0, $0xb8;
	[tilespmem:$0x18100] =	vst v63  }
0x377: {  	s31 =	simm.s32 $0xBD00  }
0x378: {  	[tilespmem:s31], [sflag:$0x1] =	stream.indirect_vreg.gather [hbm4b:s10+s4], $0x80, v3, vm1, $0xb8;
	[tilespmem:$0x18100] =	vst v63  }
.LBB2_9:
.Ltmp6:
0x379: {  	(pc) =	sbr.rel @p0 .LBB2_11-.Ltmp6, $4  }
0x37a: {  	_ =	swait.ge [sflag:s24], $0xC000  }
0x37b: {  	[sflag:s24] =	ssyncset.done $0x0  }
0x37c: {  	[sflag:s24] =	ssyncadd.s32 $0xFFFF4000  }
0x37d: {  	[hbm4b:s29+s4] =	stream.linear.scatter [tilespmem:s9], [sflag:$0x4], $0xC000, $0x38;
	[tilespmem:$0x18100] =	vst v63  }
.Ltmp7:
0x37e: {  	(pc) =	sbr.rel .LBB2_7-.Ltmp7, $4  }
0x37f: {  	_ = 	snop  }
0x380: {  	s30 =	rddreg [dreg:$0xd];
	s31 =	simm.s32 $0x80;
	s29 =	sadd.s32 $0x3000, s29  }
0x381: {  	s28 =	sadd.s32 $0x3000, s28;
	s30 =	sadd.s32 s26, s30;
	s26 =	sadd.s32 $0x20, s26  }
0x382: {  	[tilespmem:s31], [sflag:$0x6] =	stream.linear.gather [hbm4b:s30+s4], $0x80, $0x38;
	[tilespmem:$0x18100] =	vst v63  }
.LBB2_12:
0x383: {  	_ =	sfence.sel $0x180000  }
0x384: {  	[bflag:$0x0] =	sbarrier.arrive $0xFFFF  }
0x385: {  	_ =	strace $0x90000047  }
0x386: {  	s0 =	stileid.u32;
	[bflag:$0x2] =	sbarrier.arrive $0xFFFF  }
0x387: {  	p0 =	sne.s32 s0, $0x0;
	s0 =	rddreg [dreg:$0x3]  }
0x388: {  	s0 =	sadd.s32 @!p0 $0x100000, s0  }
0x389: {  	[sflag:s0] =	ssyncadd.tile.s32 @!p0 $0x1;
	_ =	shalt  }
.Lfunc_end2:
_tile_overlayer_lowered:
.L_overlay_start_2:
0x38a: {  	(tag) =	ssettag $0x2  }
0x38b: {  	s0 =	rddreg [dreg:$0x0];
	s2 =	stileid.u32  }
0x38c: {  	s1 =	rddreg [dreg:$0x1];
	p0 =	sne.s32 s2, $0x0  }
0x38d: {  	s3 =	rddreg [dreg:$0x2];
	[bflag:$0x3] =	sbarrier.arrive $0xFFFF;
	s2 =	simm.s32 @!p0 $0x1C07  }
0x38e: {  	[timem:s3], [sflag:s2] =	dma.local @!p0 [hbm:s0], s1  }
0x38f: {  	s0 =	simm.s32 @!p0 $0x7  }
0x390: {  	_ =	swait.ge @!p0 [sflag:s0], s1  }
0x391: {  	s1 =	ssub.s32 @!p0 $0x0, s1;
	[sflag:s0] =	ssyncset.done @!p0 $0x0  }
0x392: {  	[sflag:s0] =	ssyncadd.s32 @!p0 s1  }
0x393: {  	[bflag:$0x3] =	sbarrier.arrive $0xFFFF  }
0x394: {  	_ =	shalt  }

// kernel: sparse-core-data-format-call.1.cloned.1.call-start
scs
called_computation.1_lowered:
.L_overlay_start_0:
0x0: {  	s2 =	sld [smem:$0x3FD9]  }
0x1: {  	s3 =	sld [smem:$0x3FFE];
	_ =	sdelay $0x1  }
0x2: {  	s1 =	srdreg.scid  }
0x3: {  	s0 =	sand.u32 $0x1, s1  }
0x4: {  	s15 =	sshll.u32 s0, $0xA;
	s2 =	sadd.s32 s3, s2  }
0x5: {  	s2 =	sadd.s32 s2, s15  }
0x6: {  	[smem:$0x3FC4] =	sst s2  }
0x7: {  	_ = 	snop  }
0x8: {  	s2 =	sld [smem:$0x3FD0];
	_ =	sdelay $0x2  }
0x9: {  	s16 =	simm.s32 $0xB;
	s4 =	simm.s32 $0x10  }
0xa: {  	[smem:s4], [sflag:s16] =	dma.local [hbm:s2], $0x1  }
0xb: {  	_ =	swait.eq [sflag:s16], $0x1  }
0xc: {  	[sflag:s16] =	ssyncset.done $0x0  }
0xd: {  	[sflag:s16] =	ssyncadd.s32 $0xFFFFFFFF  }
0xe: {  	s17 =	sld [smem:$0x10];
	(tm) =	ssettm $0x1  }
0xf: {  	s18 =	sld [smem:$0x3FFB];
	_ =	sdelay $0x3  }
0x10: {  	_ =	strace s18  }
0x11: {  	s3 =	sld [smem:$0x3FFC];
	_ =	sdelay $0x3  }
0x12: {  	_ =	strace s3  }
0x13: {  	s3 =	sld [smem:$0x3FFD];
	_ =	sdelay $0x3  }
0x14: {  	_ =	strace s3  }
0x15: {  	_ =	strace $0x8FFFFFFF  }
0x16: {  	s19 =	sld [smem:$0x3FDB];
	_ =	sdelay $0x1  }
0x17: {  	s20 =	simm.s32 $_scs_section_size  }
0x18: {  	s5 =	simm.s32 $_size__tile_overlayer_lowered;
	s6 =	simm.s32 $_tile_overlayer_lowered  }
0x19: {  	s23 =	simm.s32 $0x1BFF;
	s22 =	sshll.u32 s6, $0x1;
	s3 =	sadd.s32 s20, s19  }
0x1a: {  	s7 =	simm.s32 $0x0;
	s21 =	sshll.u32 s5, $0x1;
	s5 =	sadd.s32 s22, s3  }
0x1b: {  	[timem:s7], [sflag:s23] =	dma.local [hbm:s5], s21  }
0x1c: {  	_ =	swait.ge [sflag:s23], s21  }
0x1d: {  	s4 =	ssub.s32 $0x0, s21;
	[sflag:s23] =	ssyncset.done $0x0  }
0x1e: {  	[sflag:s23] =	ssyncadd.s32 s4;
	_ =	sdelay $0x1  }
0x1f: {  	s24 =	simm.s32 $0x1B8B  }
0x20: {  	_ =	swait.ge [sflag:s24], $0x1  }
0x21: {  	[sflag:s24] =	ssyncset.done $0x0  }
0x22: {  	s26 =	simm.s32 $0x1B8E;
	s25 =	sld [smem:$0x3FFE];
	[sflag:s24] =	ssyncadd.s32 $0xFFFFFFFF  }
0x23: {  	s27 =	simm.s32 $execute0_lowered;
	[smem:$0x3FD2] =	sst s26  }
0x24: {  	s5 =	sshll.u32 s27, $0x1;
	_ =	strace $0x80000049;
	[dreg:$0x1] =	wrdreg $0xFFFFFFFF  }
0x25: {  	s28 =	simm.s32 $_size_execute0_lowered;
	s3 =	sadd.s32 s3, s5;
	[dreg:$0x0] =	wrdreg $0x0  }
0x26: {  	s5 =	sshll.u32 s28, $0x1;
	[dreg:$0x2] =	wrdreg s3  }
0x27: {  	[dreg:$0x3] =	wrdreg s5  }
0x28: {  	[dreg:$0x4] =	wrdreg $0xC0  }
0x29: {  	_ =	task [dreg:s7], $0x5FFFF  }
0x2a: {  	[dreg:$0x1] =	wrdreg $0xFFFFFFFF  }
0x2b: {  	[dreg:$0x0] =	wrdreg $0x60  }
0x2c: {  	[dreg:$0x2] =	wrdreg s25  }
0x2d: {  	[dreg:$0x3] =	wrdreg s17  }
0x2e: {  	[dreg:$0x4] =	wrdreg $0xA  }
0x2f: {  	_ =	task.clear_ibuf [dreg:s7], $0x5FFFF;
	_ =	strace $0x90000049  }
0x30: {  	s29 =	simm.s32 $0xA;
	_ =	strace $0x8000004B  }
0x31: {  	_ =	swait.ge [sflag:s29], $0x1  }
0x32: {  	[sflag:s29] =	ssyncadd.s32 $0xFFFFFFFF  }
0x33: {  	_ =	strace $0x9000004B  }
0x34: {  	_ =	sfence  }
0x35: {  	s30 =	sld [smem:$0x0];
	_ =	sdelay $0x2  }
0x36: {  	s31 =	sshll.u32 s1, $0xD;
	s1 =	sshrl.u32 s1, $0x2  }
0x37: {  	s3 =	sand.u32 $0x4000, s31;
	s1 =	sadd.s32 s1, s30  }
0x38: {  	s0 =	sor.u32 s3, s0;
	s1 =	sshll.u32 s1, $0x11  }
0x39: {  	s0 =	sor.u32 s1, s0  }
0x3a: {  	s0 =	sadd.s32 $0x8F2B, s0  }
0x3b: {  	[sflag:s0] =	ssyncadd.remote.s32 $0x1  }
0x3c: {  	_ =	sfence.sel $0xFFFF  }
0x3d: {  	[dreg:$0x0] =	wrdreg $0xFFFFFFFF;
	(pc) =	sbr.abs _section_cstart, $3  }
0x3e: {  	[dreg:$0x1] =	wrdreg $0xFFFFFFFF  }
0x3f: {  	_ =	task.clear_ibuf [dreg:s7], $0x2FFFF;
	_ =	strace $0x9FFFFFFF  }
0x40: {  	(tm) =	ssettm $0x7FFFFFFF  }
0x41: {  	_ =	shalt  }
tec
execute0_lowered:
.L_overlay_start_1:
0x0: {  	(tag) =	ssettag $0x1  }
0x1: {  	s0 =	srdreg.scid;
	s6 =	rddreg [dreg:$0x0]  }
0x2: {  	s3 =	rddreg [dreg:$0x1];
	s1 =	sshll.u32 s0, $0x4  }
0x3: {  	s5 =	simm.s32 $0x1;
	s0 =	stileid.u32;
	s1 =	sand.u32 $0x10, s1  }
0x4: {  	s31 =	simm.s32 $0x2;
	s16 =	simm.s32 $0x0;
	s1 =	sor.u32 s0, s1  }
0x5: {  	s8 =	simm.s32 $0x20000;
	s18 =	simm.s32 $0x0;
	s2 =	sshll.u32 s1, $0x7  }
0x6: {  	s17 =	simm.s32 $0x0;
	s9 =	simm.s32 $0x0;
	s4 =	ssub.s32 $0x4000, s2  }
0x7: {  	s10 =	simm.s32 $0x0;
	s11 =	simm.s32 $0x0;
	s30 =	sand.u32 $0xF80, s4  }
0x8: {  	s12 =	simm.s32 $0x0;
	s13 =	simm.s32 $0x0;
	p0 =	sne.s32 s30, $0x0  }
.Ltmp0:
0x9: {  	s7 =	sshrl.u32 s4, $0xC;
	s5 =	simm.s32 @!p0 $0x0;
	(pc) =	sbr.rel .LBB1_1-.Ltmp0, $4  }
0xa: {  	s15 =	simm.s32 $0x0;
	s1 =	rddreg [dreg:$0x2];
	s5 =	sadd.s32 s5, s7  }
0xb: {  	_ =	strace $0x8000004A;
	s4 =	simm.s32 $0x1;
	s5 =	smul.u32 $0x3C, s5  }
0xc: {  	s6 =	sadd.s32 $0x71200, s6;
	s14 =	smov.u32 s2;
	[sflag:s4] =	ssyncpa.u1 $0x0  }
0xd: {  	[sflag:s31] =	ssyncpa.u1 $0x0;
	p0 =	por $0x0, $0x0;
	s7 =	sor.u32 $0x1, s5  }
.LBB1_4:
0xe: {  	s23 =	sshra.s32 s23, $0x2;
	s30 =	sshll.u32 s9, $0xE  }
0xf: {  	p1 =	sgt.s32 s10, $0x13;
	s24 =	smov.u32 s10;
	s25 =	sshra.s32 s10, $0x1F  }
0x10: {  	s26 =	sshll.u32 s11, $0x3;
	s28 =	smov.u32 s11;
	s29 =	sshra.s32 s11, $0x1F  }
0x11: {  	s22 =	sadd.s32 s23, s22;
	s24 =	simm.s32 @!p1 $0x13;
	s25 =	sand.u32 s25, s10  }
0x12: {  	s23 =	sand.u32 $0xFFFE0000, s30;
	s27 =	sand.u32 $0xFFFFFC00, s26;
	p1 =	sgt.s32 s9, $0xB0  }
0x13: {  	s31 =	sand.u32 s29, s11;
	s29 =	sshll.u32 s9, $0x7;
	s30 =	sshra.s32 s9, $0x1F  }
0x14: {  	[tilespmem:s21+$0x2040 ss:$0x81] =	vst.msk $0xffff, v4;
	s24 =	ssub.s32 s24, s25;
	s23 =	sadd.s32 s27, s23;
	s27 =	smov.u32 s9  }
0x15: {  	[tilespmem:s21+$0x2850 ss:$0x81] =	vst.msk $0xffff, v3;
	s29 =	sand.u32 $0x380, s29;
	s25 =	sadd.s32 $0xFFFFFFED, s24;
	s27 =	simm.s32 @!p1 $0xB0  }
0x16: {  	v5 =	vld [tilespmem:s20+$0xFFFFFFD0];
	[tilespmem:s21+$0x3060 ss:$0x81] =	vst.msk $0xffff, v2;
	p1 =	sgt.s32 s11, $0x3F80;
	s23 =	sshrl.u32 s23, $0xE;
	s24 =	ssub.s32 $0x14, s24  }
0x17: {  	v58 =	vld [tilespmem:s20+$0xFFFFFFE0];
	[tilespmem:s21+$0x0 ss:$0x81] =	vst.msk $0xffff, v1;
	s28 =	simm.s32 @!p1 $0x3F80;
	p1 =	sgt.s32 s25, $0x0;
	s21 =	smulhi.u32 $0xD79436, s23  }
0x18: {  	v59 =	vld [tilespmem:s20+$0xFFFFFFF0];
	s25 =	ssub.s32 s28, s31;
	s28 =	sand.u32 s30, s9;
	s24 =	simm.s32 @p1 $0x0  }
0x19: {  	v60 =	vld [tilespmem:s20+$0x0];
	s27 =	ssub.s32 s27, s28;
	s31 =	sadd.s32 $0xFFFFC080, s25;
	s25 =	ssub.s32 $0x4000, s25  }
0x1a: {  	v61 =	vld [tilespmem:s20+$0x10];
	[tilespmem:s22+$0x3870 ss:$0x81] =	vst.msk $0xffff, v0;
	s21 =	smul.u32 $0x130, s21;
	s28 =	sand.u32 $0x7, s11;
	p1 =	sgt.s32 s31, $0x7F  }
0x1b: {  	v62 =	vld [tilespmem:s20+$0x20];
	[tilespmem:s22+$0x810 ss:$0x81] =	vst.msk $0xffff, v5;
	s30 =	sadd.s32 $0xFFFFFF50, s27;
	s31 =	sand.u32 $0x78, s11;
	s25 =	simm.s32 @p1 $0x0  }
0x1c: {  	v63 =	vld [tilespmem:s20+$0xFFFFFFC0];
	[tilespmem:s22+$0x1020 ss:$0x81] =	vst.msk $0xffff, v58;
	p1 =	sgt.s32 s30, $0x7F;
	s30 =	sand.u32 $0x3C00, s26;
	s24 =	smul.u32 s25, s24  }
0x1d: {  	[tilespmem:s22+$0x1830 ss:$0x81] =	vst.msk $0xffff, v59;
	s26 =	ssub.s32 $0x130, s27;
	s20 =	sor.u32 s31, s30;
	s31 =	smul.u32 $0x98000, s10  }
0x1e: {  	[tilespmem:s22+$0x2040 ss:$0x81] =	vst.msk $0xffff, v60;
	s21 =	ssub.s32 s23, s21;
	s26 =	simm.s32 @p1 $0x0;
	s20 =	sor.u32 s29, s20  }
0x1f: {  	[tilespmem:s22+$0x2850 ss:$0x81] =	vst.msk $0xffff, v61;
	s26 =	smul.u32 s26, s24;
	s20 =	sshrl.u32 s20, $0x3;
	s27 =	sadd.s32 s3, s31  }
0x20: {  	[tilespmem:s22+$0x3060 ss:$0x81] =	vst.msk $0xffff, v62;
	s21 =	sshll.u32 s21, $0xB;
	s29 =	sshll.u32 s28, $0x12;
	s20 =	sadd.s32 s20, s27  }
0x21: {  	[tilespmem:s22+$0x0 ss:$0x81] =	vst.msk $0xffff, v63;
	s31 =	sor.u32 $0x400, s29;
	s30 =	sand.u32 $0x3FFFFFFF, s26;
	s20 =	sadd.s32 s21, s20  }
0x22: {  	[hbm4b:s20+s31] =	stream.strided.scatter [tilespmem:s19], [sflag:$0x2], s30, s8, s31, $0x20;
	[tilespmem:$0x10100] =	vst v63  }
.LBB1_5:
0x23: {  	p1 =	slt.u32 s15, $0x2  }
0x24: {  	p2 =	sgt.s32 @!p1 s18, $0x13  }
0x25: {  	s19 =	smov.u32 s18;
	s20 =	sshra.s32 @!p1 s18, $0x1F;
	p2 =	por !p2, p1  }
0x26: {  	s18 =	sand.u32 @!p1 s20, s18;
	s19 =	simm.s32 @p2 $0x13  }
0x27: {  	p3 =	sgt.s32 @!p1 s16, $0xB0;
	s18 =	ssub.s32 @!p1 s19, s18  }
0x28: {  	p4 =	sgt.s32 @!p1 s17, $0x3F80;
	s21 =	sshra.s32 @!p1 s17, $0x1F;
	s19 =	sadd.s32 @!p1 $0xFFFFFFED, s18  }
0x29: {  	s20 =	smov.u32 s16;
	p2 =	sgt.s32 @!p1 s19, $0x0;
	s19 =	sshra.s32 @!p1 s16, $0x1F  }
0x2a: {  	p4 =	por !p4, p1;
	s16 =	sand.u32 @!p1 s19, s16;
	s19 =	smov.u32 s17  }
0x2b: {  	p3 =	por !p3, p1;
	s17 =	sand.u32 @!p1 s21, s17;
	s19 =	simm.s32 @p4 $0x3F80  }
0x2c: {  	s20 =	simm.s32 @p3 $0xB0;
	s18 =	ssub.s32 @!p1 $0x14, s18;
	s17 =	ssub.s32 @!p1 s19, s17  }
0x2d: {  	p2 =	por !p2, p1;
	s16 =	ssub.s32 @!p1 s20, s16;
	s20 =	sadd.s32 @!p1 $0xFFFFC080, s17  }
0x2e: {  	s18 =	simm.s32 @!p2 $0x0;
	p3 =	sgt.s32 @!p1 s20, $0x7F  }
0x2f: {  	s19 =	sadd.s32 @!p1 $0xFFFFFF50, s16;
	s17 =	ssub.s32 @!p1 $0x4000, s17;
	p3 =	por !p3, p1  }
0x30: {  	p2 =	sgt.s32 @!p1 s19, $0x7F;
	s19 =	sadd.s32 $0x80, s12;
	s17 =	simm.s32 @!p3 $0x0  }
0x31: {  	p3 =	sgt.s32 s19, $0x12B;
	s17 =	smul.u32 @!p1 s17, s18;
	s18 =	simm.s32 $0x1  }
0x32: {  	s16 =	ssub.s32 @!p1 $0x130, s16;
	p2 =	por !p2, p1;
	s18 =	simm.s32 @!p3 $0x0  }
0x33: {  	s21 =	smov.u32 s14;
	s16 =	simm.s32 @!p2 $0x0;
	s20 =	sadd.s32 s18, s13  }
0x34: {  	s16 =	smul.u32 @!p1 s16, s17;
	s17 =	sadd.s32 $0x1000, s14;
	p2 =	sgt.s32 s20, $0x13  }
0x35: {  	p0 =	por !p0, !p0;
	s22 =	simm.s32 @!p1 $0x2;
	s21 =	smov.u32 @p2 s17  }
0x36: {  	s19 =	simm.s32 @p3 $0x0;
	s20 =	simm.s32 @p2 $0x0;
	p2 =	sgt.s32 s21, $0x3FFF  }
0x37: {  	s18 =	smov.u32 s10;
	s21 =	smov.u32 @p2 s2;
	p2 =	sne.s32 s15, s7  }
.Ltmp1:
0x38: {  	s10 =	smov.u32 s13;
	s16 =	sand.u32 @!p1 $0x3FFFFFFF, s16;
	(pc) =	sbr.rel @!p2 .LBB1_6-.Ltmp1, $4  }
0x39: {  	s17 =	smov.u32 s11;
	s11 =	smov.u32 s14;
	_ =	swait.ge @!p1 [sflag:s22], s16  }
0x3a: {  	s23 =	ssub.s32 @!p1 $0x0, s16;
	s16 =	smov.u32 s9;
	s9 =	smov.u32 s12  }
0x3b: {  	s12 =	smov.u32 s19;
	s13 =	smov.u32 s20;
	[sflag:s22] =	ssyncset.done @!p1 $0x0  }
0x3c: {  	s15 =	sadd.s32 $0x1, s15;
	[sflag:s22] =	ssyncadd.s32 @!p1 s23;
	s14 =	smov.u32 s21  }
.LBB1_1:
0x3d: {  	p1 =	sge.u32 s15, s5  }
0x3e: {  	s19 =	sshrl.u32 @!p1 s13, $0x3  }
0x3f: {  	s20 =	sshll.u32 @!p1 s12, $0x3;
	s19 =	smul.u32 @!p1 $0xC00, s19  }
0x40: {  	s21 =	sshll.u32 @!p1 s13, $0x7;
	s20 =	sand.u32 @!p1 $0xFFFFFC00, s20  }
0x41: {  	s19 =	sadd.s32 @!p1 s19, s20;
	s20 =	sand.u32 @!p1 $0x380, s21  }
0x42: {  	s19 =	sor.u32 @!p1 s20, s19  }
0x43: {  	s20 =	sand.u32 @!p1 $0x7F, s12;
	s21 =	smulhi.u32 @!p1 $0xAAAAAAAB, s19  }
0x44: {  	s19 =	sor.u32 @!p1 s20, s19  }
0x45: {  	s20 =	smulhi.u32 @!p1 $0xAAAAAAAB, s19;
	s21 =	sshrl.u32 @!p1 s21, $0x8  }
0x46: {  	s22 =	smulhi.u32 @!p1 $0xAAAAAAB, s21;
	_ =	sdelay $0x1  }
0x47: {  	s20 =	sshrl.u32 @!p1 s20, $0x8;
	s22 =	smul.u32 @!p1 $0x18, s22  }
0x48: {  	s31 =	sadd.s32 $0xFFFFFFFF, s15;
	s20 =	smul.u32 @!p1 $0x180, s20  }
0x49: {  	s23 =	sxor.u32 @!p1 $0xFFFFFFFF, s15;
	s21 =	ssub.s32 @!p1 s21, s22;
	s22 =	smul.u32 @!p1 $0x480, s14  }
0x4a: {  	s23 =	sshll.u32 @!p1 s23, $0xE;
	s19 =	ssub.s32 @!p1 s19, s20;
	s20 =	smul.u32 @!p1 $0x30, s21  }
0x4b: {  	s21 =	sand.u32 @!p1 $0x4000, s23;
	s23 =	sand.u32 @!p1 $0x7, s19;
	s22 =	sadd.s32 @!p1 s6, s22  }
0x4c: {  	s19 =	sshrl.u32 @!p1 s19, $0x3;
	s20 =	sadd.s32 @!p1 s20, s22;
	s22 =	sshll.u32 @!p1 s23, $0x12  }
0x4d: {  	s19 =	sadd.s32 @!p1 s19, s20;
	s20 =	sor.u32 @!p1 $0x80, s22;
	s22 =	simm.s32 @!p1 $0x2400  }
0x4e: {  	[tilespmem:s21], [sflag:$0x1] =	stream.strided.gather @!p1 [hbm4b:s19+s20], $0x4000, s22, s20, $0x38;
	[tilespmem:$0x10100] =	vst v63  }
0x4f: {  	p1 =	sge.u32 s31, s5  }
.Ltmp2:
0x50: {  	_ = 	snop;
	(pc) =	sbr.rel @p1 .LBB1_5-.Ltmp2, $1  }
0x51: {  	_ =	sdelay $0x3  }
0x52: {  	s19 =	simm.s32 $0x1  }
0x53: {  	_ =	swait.ge [sflag:s4], $0x4000;
	s19 =	simm.s32 @!p0 $0x0  }
0x54: {  	[sflag:s4] =	ssyncset.done $0x0;
	s20 =	sshll.u32 s19, $0xE  }
0x55: {  	[sflag:s4] =	ssyncadd.s32 $0xFFFFC000;
	s20 =	sor.u32 $0x40, s20  }
0x56: {  	s19 =	smul.u32 $0x10200, s19;
	v0 =	vld [tilespmem:s20+$0x30]  }
0x57: {  	v1 =	vld [tilespmem:s20+$0xFFFFFFD0]  }
0x58: {  	s19 =	sshrl.u32 s19, $0x2;
	v5 =	vld [tilespmem:s20+$0xFFFFFFE0]  }
0x59: {  	v6 =	vld [tilespmem:s20+$0xFFFFFFF0];
	s22 =	sor.u32 $0x8000, s19  }
0x5a: {  	s31 =	sand.u32 $0x1, s15;
	v4 =	vld [tilespmem:s20+$0x0];
	s21 =	sadd.s32 $0x0, s22  }
0x5b: {  	v3 =	vld [tilespmem:s20+$0x10];
	s19 =	smul.u32 $0x10200, s31;
	[tilespmem:s21+$0x3870 ss:$0x81] =	vst.msk $0xffff, v0  }
0x5c: {  	v2 =	vld [tilespmem:s20+$0x20];
	[tilespmem:s21+$0x810 ss:$0x81] =	vst.msk $0xffff, v1  }
0x5d: {  	s19 =	sshrl.u32 s19, $0x2;
	v1 =	vld [tilespmem:s20+$0xFFFFFFC0];
	[tilespmem:s21+$0x1020 ss:$0x81] =	vst.msk $0xffff, v5;
	s20 =	sadd.s32 $0x80, s20  }
0x5e: {  	s23 =	simm.s32 $0x4;
	s24 =	simm.s32 $0x8;
	s19 =	sor.u32 $0x8000, s19;
	[tilespmem:s21+$0x1830 ss:$0x81] =	vst.msk $0xffff, v6;
	v0 =	vld [tilespmem:s20+$0x30]  }
.LBB1_3:
0x5f: {  	p1 =	sne.s32 s24, $0x1FC;
	v5 =	vld [tilespmem:s20+$0xFFFFFFD0];
	[tilespmem:s21+$0x2040 ss:$0x81] =	vst.msk $0xffff, v4  }
0x60: {  	v6 =	vld [tilespmem:s20+$0xFFFFFFE0];
	[tilespmem:s21+$0x2850 ss:$0x81] =	vst.msk $0xffff, v3  }
0x61: {  	s25 =	sshra.s32 s23, $0x2;
	s23 =	smov.u32 s24;
	v7 =	vld [tilespmem:s20+$0xFFFFFFF0];
	[tilespmem:s21+$0x3060 ss:$0x81] =	vst.msk $0xffff, v2  }
.Ltmp3:
0x62: {  	v4 =	vld [tilespmem:s20+$0x0];
	[tilespmem:s21+$0x0 ss:$0x81] =	vst.msk $0xffff, v1;
	s21 =	sadd.s32 s25, s22;
	(pc) =	sbr.rel @p1 .LBB1_3-.Ltmp3, $4  }
0x63: {  	v3 =	vld [tilespmem:s20+$0x10];
	[tilespmem:s21+$0x3870 ss:$0x81] =	vst.msk $0xffff, v0  }
0x64: {  	[tilespmem:s21+$0x810 ss:$0x81] =	vst.msk $0xffff, v5;
	v2 =	vld [tilespmem:s20+$0x20]  }
0x65: {  	v1 =	vld [tilespmem:s20+$0xFFFFFFC0];
	[tilespmem:s21+$0x1020 ss:$0x81] =	vst.msk $0xffff, v6;
	s20 =	sadd.s32 $0x80, s20  }
0x66: {  	s24 =	sadd.s32 $0x4, s24;
	v0 =	vld [tilespmem:s20+$0x30];
	[tilespmem:s21+$0x1830 ss:$0x81] =	vst.msk $0xffff, v7  }
.Ltmp4:
0x67: {  	_ = 	snop;
	(pc) =	sbr.rel .LBB1_4-.Ltmp4, $1  }
0x68: {  	_ =	sdelay $0x3  }
.LBB1_6:
0x69: {  	_ =	sfence.sel $0x180000  }
0x6a: {  	s2 =	simm.s32 $0x1;
	[bflag:$0x0] =	sbarrier.arrive $0xFFFF  }
0x6b: {  	s31 =	simm.s32 $0x2;
	[sflag:s2] =	ssyncpa.u1 $0x1  }
0x6c: {  	[sflag:s31] =	ssyncpa.u1 $0x1  }
0x6d: {  	p0 =	sne.s32 s0, $0x0;
	_ =	strace $0x9000004A  }
0x6e: {  	s0 =	sadd.s32 @!p0 $0x100000, s1;
	[bflag:$0x2] =	sbarrier.arrive $0xFFFF  }
0x6f: {  	[sflag:s0] =	ssyncadd.tile.s32 @!p0 $0x1;
	_ =	shalt  }
.Lfunc_end1:
_tile_overlayer_lowered:
.L_overlay_start_2:
0x70: {  	(tag) =	ssettag $0x2  }
0x71: {  	s0 =	rddreg [dreg:$0x0];
	s2 =	stileid.u32  }
0x72: {  	s1 =	rddreg [dreg:$0x1];
	p0 =	sne.s32 s2, $0x0  }
0x73: {  	s3 =	rddreg [dreg:$0x2];
	[bflag:$0x3] =	sbarrier.arrive $0xFFFF;
	s2 =	simm.s32 @!p0 $0x1C01  }
0x74: {  	[timem:s3], [sflag:s2] =	dma.local @!p0 [hbm:s0], s1  }
0x75: {  	s0 =	simm.s32 @!p0 $0x1  }
0x76: {  	_ =	swait.ge @!p0 [sflag:s0], s1  }
0x77: {  	s1 =	ssub.s32 @!p0 $0x0, s1;
	[sflag:s0] =	ssyncset.done @!p0 $0x0  }
0x78: {  	[sflag:s0] =	ssyncadd.s32 @!p0 s1  }
0x79: {  	[bflag:$0x3] =	sbarrier.arrive $0xFFFF  }
0x7a: {  	_ =	shalt  }

// kernel: sparse-core-data-format-call.cloned.1.call-start
scs
called_computation_lowered:
.L_overlay_start_0:
0x0: {  	s2 =	sld [smem:$0x3FD9]  }
0x1: {  	s3 =	sld [smem:$0x3FFE];
	_ =	sdelay $0x1  }
0x2: {  	s1 =	srdreg.scid  }
0x3: {  	s0 =	sand.u32 $0x1, s1  }
0x4: {  	s16 =	sshll.u32 s0, $0xA;
	s2 =	sadd.s32 s3, s2  }
0x5: {  	s2 =	sadd.s32 s2, s16  }
0x6: {  	[smem:$0x3FC4] =	sst s2  }
0x7: {  	_ = 	snop  }
0x8: {  	s2 =	sld [smem:$0x3FD0];
	_ =	sdelay $0x2  }
0x9: {  	s17 =	simm.s32 $0xB;
	s4 =	simm.s32 $0x10  }
0xa: {  	[smem:s4], [sflag:s17] =	dma.local [hbm:s2], $0x1  }
0xb: {  	_ =	swait.eq [sflag:s17], $0x1  }
0xc: {  	[sflag:s17] =	ssyncset.done $0x0  }
0xd: {  	[sflag:s17] =	ssyncadd.s32 $0xFFFFFFFF  }
0xe: {  	s18 =	sld [smem:$0x11];
	(tm) =	ssettm $0x1  }
0xf: {  	s19 =	sld [smem:$0x3FFB];
	_ =	sdelay $0x3  }
0x10: {  	_ =	strace s19  }
0x11: {  	s2 =	sld [smem:$0x3FFC];
	_ =	sdelay $0x3  }
0x12: {  	_ =	strace s2  }
0x13: {  	s2 =	sld [smem:$0x3FFD];
	_ =	sdelay $0x3  }
0x14: {  	_ =	strace s2  }
0x15: {  	_ =	strace $0x8FFFFFFF  }
0x16: {  	s20 =	sld [smem:$0x3FDB];
	_ =	sdelay $0x1  }
0x17: {  	s21 =	simm.s32 $_scs_section_size  }
0x18: {  	s5 =	simm.s32 $_size__tile_overlayer_lowered;
	s6 =	simm.s32 $_tile_overlayer_lowered  }
0x19: {  	s7 =	simm.s32 $0x1BFF;
	s22 =	sshll.u32 s6, $0x1;
	s4 =	sadd.s32 s21, s20  }
0x1a: {  	s23 =	simm.s32 $0x0;
	s5 =	sshll.u32 s5, $0x1;
	s6 =	sadd.s32 s22, s4  }
0x1b: {  	[timem:s23], [sflag:s7] =	dma.local [hbm:s6], s5  }
0x1c: {  	_ =	swait.ge [sflag:s7], s5  }
0x1d: {  	s5 =	ssub.s32 $0x0, s5;
	[sflag:s7] =	ssyncset.done $0x0  }
0x1e: {  	[sflag:s7] =	ssyncadd.s32 s5;
	_ =	sdelay $0x1  }
0x1f: {  	s24 =	simm.s32 $0x1B8B  }
0x20: {  	_ =	swait.ge [sflag:s24], $0x1  }
0x21: {  	[sflag:s24] =	ssyncset.done $0x0  }
0x22: {  	[sflag:s24] =	ssyncadd.s32 $0xFFFFFFFF  }
0x23: {  	s5 =	sld [smem:$0x0]  }
0x24: {  	s6 =	sand.u32 $0xFFFFFFFE, s1  }
0x25: {  	p0 =	sne.s32 s1, s6  }
0x26: {  	s6 =	sshll.u32 @p0 s6, $0xE  }
0x27: {  	s6 =	sadd.s32 @p0 $0x11B8D, s6;
	s7 =	sshll.u32 @p0 s5, $0x11  }
0x28: {  	s6 =	sor.u32 @p0 s7, s6  }
0x29: {  	[sflag:s6] =	ssyncadd.remote.s32 @p0 $0x1;
	_ =	sdelay $0x1  }
0x2a: {  	s6 =	simm.s32 @p0 $0x1B8D  }
0x2b: {  	_ =	swait.eq @p0 [sflag:s6], $0x1  }
0x2c: {  	[sflag:s6] =	ssyncadd.s32 @p0 $0xFFFFFFFF  }
0x2d: {  	s7 =	sshll.u32 @!p0 s1, $0xE  }
0x2e: {  	s7 =	sor.u32 @!p0 $0x4000, s7;
	s6 =	simm.s32 @!p0 $0x1B8D  }
0x2f: {  	s5 =	sshll.u32 @!p0 s5, $0x11;
	s7 =	sadd.s32 @!p0 $0x11B8D, s7;
	_ =	swait.eq @!p0 [sflag:s6], $0x1  }
0x30: {  	s5 =	sor.u32 @!p0 s5, s7;
	[sflag:s6] =	ssyncadd.s32 @!p0 $0xFFFFFFFF  }
0x31: {  	s26 =	simm.s32 $0x1B8E;
	s25 =	sld [smem:$0x3FFE];
	[sflag:s5] =	ssyncadd.remote.s32 @!p0 $0x1  }
0x32: {  	s27 =	simm.s32 $execute0_lowered;
	[smem:$0x3FD2] =	sst s26  }
0x33: {  	s6 =	sshll.u32 s27, $0x1;
	_ =	strace $0x8000004C;
	[dreg:$0x1] =	wrdreg $0xFFFFFFFF  }
0x34: {  	s28 =	simm.s32 $_size_execute0_lowered;
	s4 =	sadd.s32 s4, s6;
	[dreg:$0x0] =	wrdreg $0x0  }
0x35: {  	s6 =	sshll.u32 s28, $0x1;
	[dreg:$0x2] =	wrdreg s4  }
0x36: {  	[dreg:$0x3] =	wrdreg s6  }
0x37: {  	[dreg:$0x4] =	wrdreg $0xC0  }
0x38: {  	_ =	task [dreg:s23], $0x5FFFF  }
0x39: {  	[dreg:$0x1] =	wrdreg $0xFFFFFFFF  }
0x3a: {  	[dreg:$0x0] =	wrdreg $0x60  }
0x3b: {  	[dreg:$0x2] =	wrdreg s25  }
0x3c: {  	[dreg:$0x3] =	wrdreg s18  }
0x3d: {  	[dreg:$0x4] =	wrdreg $0x9  }
0x3e: {  	_ =	task.clear_ibuf [dreg:s23], $0x5FFFF;
	_ =	strace $0x9000004C  }
0x3f: {  	s29 =	simm.s32 $0x9;
	_ =	strace $0x8000004E  }
0x40: {  	_ =	swait.ge [sflag:s29], $0x1  }
0x41: {  	[sflag:s29] =	ssyncadd.s32 $0xFFFFFFFF  }
0x42: {  	_ =	strace $0x9000004E  }
0x43: {  	_ =	sfence  }
0x44: {  	s30 =	sld [smem:$0x0];
	_ =	sdelay $0x2  }
0x45: {  	s31 =	sshll.u32 s1, $0xD;
	s1 =	sshrl.u32 s1, $0x2  }
0x46: {  	s4 =	sand.u32 $0x4000, s31;
	s1 =	sadd.s32 s1, s30  }
0x47: {  	s0 =	sor.u32 s4, s0;
	s1 =	sshll.u32 s1, $0x11  }
0x48: {  	s0 =	sor.u32 s1, s0  }
0x49: {  	s0 =	sadd.s32 $0x8F2B, s0  }
0x4a: {  	[sflag:s0] =	ssyncadd.remote.s32 $0x1  }
0x4b: {  	_ =	sfence.sel $0xFFFF  }
0x4c: {  	[dreg:$0x0] =	wrdreg $0xFFFFFFFF;
	(pc) =	sbr.abs _section_cstart, $3  }
0x4d: {  	[dreg:$0x1] =	wrdreg $0xFFFFFFFF  }
0x4e: {  	_ =	task.clear_ibuf [dreg:s23], $0x2FFFF;
	_ =	strace $0x9FFFFFFF  }
0x4f: {  	(tm) =	ssettm $0x7FFFFFFF  }
tec
execute0_lowered:
.L_overlay_start_1:
0x0: {  	(tag) =	ssettag $0x1  }
0x1: {  	s0 =	srdreg.scid;
	s6 =	rddreg [dreg:$0x0]  }
0x2: {  	s3 =	rddreg [dreg:$0x1];
	s1 =	sshll.u32 s0, $0x4  }
0x3: {  	s5 =	simm.s32 $0x1;
	s0 =	stileid.u32;
	s1 =	sand.u32 $0x10, s1  }
0x4: {  	s31 =	simm.s32 $0x2;
	s18 =	simm.s32 $0x0;
	s1 =	sor.u32 s0, s1  }
0x5: {  	s8 =	simm.s32 $0x320000;
	s17 =	simm.s32 $0x0;
	s2 =	sshll.u32 s1, $0x7  }
0x6: {  	s16 =	simm.s32 $0x0;
	s9 =	simm.s32 $0x0;
	s4 =	ssub.s32 $0x4000, s2  }
0x7: {  	s10 =	simm.s32 $0x0;
	s11 =	simm.s32 $0x0;
	s30 =	sand.u32 $0xF80, s4  }
0x8: {  	s12 =	simm.s32 $0x0;
	s13 =	simm.s32 $0x0;
	p0 =	sne.s32 s30, $0x0  }
.Ltmp0:
0x9: {  	s7 =	sshrl.u32 s4, $0xC;
	s5 =	simm.s32 @!p0 $0x0;
	(pc) =	sbr.rel .LBB1_1-.Ltmp0, $4  }
0xa: {  	s15 =	simm.s32 $0x0;
	s1 =	rddreg [dreg:$0x2];
	s5 =	sadd.s32 s5, s7  }
0xb: {  	_ =	strace $0x8000004D;
	s4 =	simm.s32 $0x1;
	s5 =	smul.u32 $0x258, s5  }
0xc: {  	s6 =	sadd.s32 $0x1271200, s6;
	s14 =	smov.u32 s2;
	[sflag:s4] =	ssyncpa.u1 $0x0  }
0xd: {  	[sflag:s31] =	ssyncpa.u1 $0x0;
	p0 =	por $0x0, $0x0;
	s7 =	sor.u32 $0x1, s5  }
.LBB1_4:
0xe: {  	s23 =	sshra.s32 s23, $0x2;
	s24 =	sshll.u32 s10, $0xE  }
0xf: {  	p1 =	sgt.s32 s10, $0xC7;
	s26 =	smov.u32 s10;
	s27 =	sshra.s32 s10, $0x1F  }
0x10: {  	s28 =	smov.u32 s9;
	s29 =	sshra.s32 s11, $0x1F;
	s22 =	sadd.s32 s23, s22  }
0x11: {  	s30 =	sand.u32 $0xFFFE0000, s24;
	s24 =	sshll.u32 s11, $0x3;
	s26 =	simm.s32 @!p1 $0xC7  }
0x12: {  	p1 =	sgt.s32 s9, $0xAC;
	s27 =	sand.u32 s27, s10;
	s31 =	sand.u32 s29, s11  }
0x13: {  	s29 =	sshll.u32 s10, $0x7;
	s25 =	sand.u32 $0xFFFFFC00, s24;
	s28 =	simm.s32 @!p1 $0xAC  }
0x14: {  	p1 =	sgt.s32 s11, $0x3F80;
	s23 =	sadd.s32 s25, s30;
	s25 =	ssub.s32 s26, s27  }
0x15: {  	[tilespmem:s21+$0x2040 ss:$0x81] =	vst.msk $0xffff, v4;
	s27 =	smov.u32 s11;
	s30 =	sshra.s32 s9, $0x1F;
	s26 =	sadd.s32 $0xFFFFFF39, s25  }
0x16: {  	v5 =	vld [tilespmem:s20+$0xFFFFFFD0];
	[tilespmem:s21+$0x2850 ss:$0x81] =	vst.msk $0xffff, v3;
	s27 =	simm.s32 @!p1 $0x3F80;
	s23 =	sshrl.u32 s23, $0xE;
	s25 =	ssub.s32 $0xC8, s25  }
0x17: {  	v58 =	vld [tilespmem:s20+$0xFFFFFFE0];
	[tilespmem:s21+$0x3060 ss:$0x81] =	vst.msk $0xffff, v2;
	p1 =	sgt.s32 s26, $0x0;
	s26 =	ssub.s32 s27, s31;
	s27 =	sand.u32 s30, s9  }
0x18: {  	v59 =	vld [tilespmem:s20+$0xFFFFFFF0];
	[tilespmem:s21+$0x0 ss:$0x81] =	vst.msk $0xffff, v1;
	s21 =	smulhi.u32 $0x147AE15, s23;
	s30 =	sand.u32 $0x78, s11;
	s27 =	ssub.s32 s28, s27  }
0x19: {  	v60 =	vld [tilespmem:s20+$0x0];
	s25 =	simm.s32 @p1 $0x0;
	s31 =	sadd.s32 $0xFFFFC080, s26;
	s26 =	ssub.s32 $0x4000, s26  }
0x1a: {  	v61 =	vld [tilespmem:s20+$0x10];
	[tilespmem:s22+$0x3870 ss:$0x81] =	vst.msk $0xffff, v0;
	p1 =	sgt.s32 s31, $0x7F;
	s28 =	sadd.s32 $0xFFFFFF54, s27;
	s31 =	sand.u32 $0x380, s29  }
0x1b: {  	v62 =	vld [tilespmem:s20+$0x20];
	[tilespmem:s22+$0x810 ss:$0x81] =	vst.msk $0xffff, v5;
	s29 =	sand.u32 $0x3C00, s24;
	s21 =	smul.u32 $0xC8, s21;
	s24 =	ssub.s32 $0x12C, s27  }
0x1c: {  	v63 =	vld [tilespmem:s20+$0xFFFFFFC0];
	[tilespmem:s22+$0x1020 ss:$0x81] =	vst.msk $0xffff, v58;
	s26 =	simm.s32 @p1 $0x0;
	s20 =	sor.u32 s30, s29;
	s30 =	smul.u32 $0x64000, s9  }
0x1d: {  	[tilespmem:s22+$0x1830 ss:$0x81] =	vst.msk $0xffff, v59;
	p1 =	sgt.s32 s28, $0x7F;
	s28 =	sand.u32 $0x7, s11;
	s25 =	smul.u32 s26, s25  }
0x1e: {  	[tilespmem:s22+$0x2040 ss:$0x81] =	vst.msk $0xffff, v60;
	s24 =	simm.s32 @p1 $0x0;
	s20 =	sor.u32 s31, s20;
	s21 =	ssub.s32 s23, s21  }
0x1f: {  	[tilespmem:s22+$0x2850 ss:$0x81] =	vst.msk $0xffff, v61;
	s20 =	sshrl.u32 s20, $0x3;
	s27 =	sadd.s32 s3, s30;
	s31 =	smul.u32 s24, s25  }
0x20: {  	[tilespmem:s22+$0x3060 ss:$0x81] =	vst.msk $0xffff, v62;
	s29 =	sshll.u32 s28, $0x12;
	s21 =	sshll.u32 s21, $0xB;
	s20 =	sadd.s32 s20, s27  }
0x21: {  	[tilespmem:s22+$0x0 ss:$0x81] =	vst.msk $0xffff, v63;
	s20 =	sadd.s32 s21, s20;
	s30 =	sand.u32 $0x3FFFFFFF, s31;
	s31 =	sor.u32 $0x80, s29  }
0x22: {  	[hbm4b:s20+s31] =	stream.strided.scatter [tilespmem:s19], [sflag:$0x2], s30, s8, s31, $0x20;
	[tilespmem:$0x10100] =	vst v63  }
.LBB1_5:
0x23: {  	p1 =	slt.u32 s15, $0x2  }
0x24: {  	p2 =	sgt.s32 @!p1 s18, $0xAC  }
0x25: {  	s19 =	smov.u32 s18;
	s20 =	sshra.s32 @!p1 s18, $0x1F;
	p2 =	por !p2, p1  }
0x26: {  	s18 =	sand.u32 @!p1 s20, s18;
	s19 =	simm.s32 @p2 $0xAC  }
0x27: {  	s20 =	sshra.s32 @!p1 s17, $0x1F;
	p2 =	sgt.s32 @!p1 s17, $0xC7;
	s18 =	ssub.s32 @!p1 s19, s18  }
0x28: {  	p2 =	por !p2, p1;
	s19 =	smov.u32 s17;
	s17 =	sand.u32 @!p1 s20, s17  }
0x29: {  	s20 =	sshra.s32 @!p1 s16, $0x1F;
	s19 =	simm.s32 @p2 $0xC7;
	p2 =	sgt.s32 @!p1 s16, $0x3F80  }
0x2a: {  	s17 =	ssub.s32 @!p1 s19, s17;
	p2 =	por !p2, p1;
	s19 =	smov.u32 s16  }
0x2b: {  	s16 =	sand.u32 @!p1 s20, s16;
	s20 =	sadd.s32 @!p1 $0xFFFFFF39, s17;
	s19 =	simm.s32 @p2 $0x3F80  }
0x2c: {  	p2 =	sgt.s32 @!p1 s20, $0x0;
	s16 =	ssub.s32 @!p1 s19, s16  }
0x2d: {  	s17 =	ssub.s32 @!p1 $0xC8, s17;
	p2 =	por !p2, p1;
	s19 =	sadd.s32 @!p1 $0xFFFFC080, s16  }
0x2e: {  	s17 =	simm.s32 @!p2 $0x0;
	p2 =	sgt.s32 @!p1 s19, $0x7F  }
0x2f: {  	s21 =	smov.u32 s14;
	s16 =	ssub.s32 @!p1 $0x4000, s16;
	p2 =	por !p2, p1  }
0x30: {  	s20 =	sadd.s32 @!p1 $0xFFFFFF54, s18;
	s19 =	sadd.s32 $0x80, s12;
	s16 =	simm.s32 @!p2 $0x0  }
0x31: {  	p2 =	sgt.s32 s19, $0x12B;
	s16 =	smul.u32 @!p1 s16, s17;
	s17 =	simm.s32 $0x1  }
0x32: {  	p0 =	por !p0, !p0;
	p3 =	sgt.s32 @!p1 s20, $0x7F;
	s17 =	simm.s32 @!p2 $0x0  }
0x33: {  	s18 =	ssub.s32 @!p1 $0x12C, s18;
	p3 =	por !p3, p1;
	s20 =	sadd.s32 s17, s13  }
0x34: {  	s18 =	simm.s32 @!p3 $0x0;
	s17 =	sadd.s32 $0x1000, s14;
	p3 =	sgt.s32 s20, $0xC7  }
0x35: {  	s22 =	simm.s32 @!p1 $0x2;
	s19 =	simm.s32 @p2 $0x0;
	s21 =	smov.u32 @p3 s17  }
0x36: {  	s16 =	smul.u32 @!p1 s18, s16;
	s18 =	smov.u32 s9;
	p2 =	sgt.s32 s21, $0x3FFF  }
0x37: {  	s9 =	smov.u32 s12;
	s21 =	smov.u32 @p2 s2;
	p2 =	sne.s32 s15, s7  }
.Ltmp1:
0x38: {  	s12 =	smov.u32 s19;
	s16 =	sand.u32 @!p1 $0x3FFFFFFF, s16;
	(pc) =	sbr.rel @!p2 .LBB1_6-.Ltmp1, $4  }
0x39: {  	s20 =	simm.s32 @p3 $0x0;
	s17 =	smov.u32 s10;
	s10 =	smov.u32 s13  }
0x3a: {  	_ =	swait.ge @!p1 [sflag:s22], s16;
	s23 =	ssub.s32 @!p1 $0x0, s16;
	s16 =	smov.u32 s11  }
0x3b: {  	s11 =	smov.u32 s14;
	s13 =	smov.u32 s20;
	[sflag:s22] =	ssyncset.done @!p1 $0x0  }
0x3c: {  	s15 =	sadd.s32 $0x1, s15;
	[sflag:s22] =	ssyncadd.s32 @!p1 s23;
	s14 =	smov.u32 s21  }
.LBB1_1:
0x3d: {  	p1 =	sge.u32 s15, s5  }
0x3e: {  	s19 =	sshrl.u32 @!p1 s13, $0x3  }
0x3f: {  	s20 =	sshll.u32 @!p1 s12, $0x3;
	s19 =	smul.u32 @!p1 $0xC00, s19  }
0x40: {  	s21 =	sshll.u32 @!p1 s13, $0x7;
	s20 =	sand.u32 @!p1 $0xFFFFFC00, s20  }
0x41: {  	s19 =	sadd.s32 @!p1 s19, s20;
	s20 =	sand.u32 @!p1 $0x380, s21  }
0x42: {  	s19 =	sor.u32 @!p1 s20, s19  }
0x43: {  	s20 =	sand.u32 @!p1 $0x7F, s12;
	s21 =	smulhi.u32 @!p1 $0xAAAAAAAB, s19  }
0x44: {  	s19 =	sor.u32 @!p1 s20, s19  }
0x45: {  	s20 =	smulhi.u32 @!p1 $0xAAAAAAAB, s19;
	s21 =	sshrl.u32 @!p1 s21, $0x8  }
0x46: {  	s22 =	smulhi.u32 @!p1 $0x147AE15, s21;
	_ =	sdelay $0x1  }
0x47: {  	s20 =	sshrl.u32 @!p1 s20, $0x8;
	s22 =	smul.u32 @!p1 $0xC8, s22  }
0x48: {  	s31 =	sadd.s32 $0xFFFFFFFF, s15;
	s20 =	smul.u32 @!p1 $0x180, s20  }
0x49: {  	s23 =	sxor.u32 @!p1 $0xFFFFFFFF, s15;
	s21 =	ssub.s32 @!p1 s21, s22;
	s22 =	smul.u32 @!p1 $0x2580, s14  }
0x4a: {  	s23 =	sshll.u32 @!p1 s23, $0xE;
	s19 =	ssub.s32 @!p1 s19, s20;
	s20 =	smul.u32 @!p1 $0x30, s21  }
0x4b: {  	s21 =	sand.u32 @!p1 $0x4000, s23;
	s23 =	sand.u32 @!p1 $0x7, s19;
	s22 =	sadd.s32 @!p1 s6, s22  }
0x4c: {  	s19 =	sshrl.u32 @!p1 s19, $0x3;
	s20 =	sadd.s32 @!p1 s20, s22;
	s22 =	sshll.u32 @!p1 s23, $0x12  }
0x4d: {  	s19 =	sadd.s32 @!p1 s19, s20;
	s20 =	sor.u32 @!p1 $0x80, s22;
	s22 =	simm.s32 @!p1 $0x12C00  }
0x4e: {  	[tilespmem:s21], [sflag:$0x1] =	stream.strided.gather @!p1 [hbm4b:s19+s20], $0x4000, s22, s20, $0x38;
	[tilespmem:$0x10100] =	vst v63  }
0x4f: {  	p1 =	sge.u32 s31, s5  }
.Ltmp2:
0x50: {  	_ = 	snop;
	(pc) =	sbr.rel @p1 .LBB1_5-.Ltmp2, $1  }
0x51: {  	_ =	sdelay $0x3  }
0x52: {  	s19 =	simm.s32 $0x1  }
0x53: {  	_ =	swait.ge [sflag:s4], $0x4000;
	s19 =	simm.s32 @!p0 $0x0  }
0x54: {  	[sflag:s4] =	ssyncset.done $0x0;
	s20 =	sshll.u32 s19, $0xE  }
0x55: {  	[sflag:s4] =	ssyncadd.s32 $0xFFFFC000;
	s20 =	sor.u32 $0x40, s20  }
0x56: {  	s19 =	smul.u32 $0x10200, s19;
	v0 =	vld [tilespmem:s20+$0x30]  }
0x57: {  	v1 =	vld [tilespmem:s20+$0xFFFFFFD0]  }
0x58: {  	s19 =	sshrl.u32 s19, $0x2;
	v5 =	vld [tilespmem:s20+$0xFFFFFFE0]  }
0x59: {  	v6 =	vld [tilespmem:s20+$0xFFFFFFF0];
	s22 =	sor.u32 $0x8000, s19  }
0x5a: {  	s31 =	sand.u32 $0x1, s15;
	v4 =	vld [tilespmem:s20+$0x0];
	s21 =	sadd.s32 $0x0, s22  }
0x5b: {  	v3 =	vld [tilespmem:s20+$0x10];
	s19 =	smul.u32 $0x10200, s31;
	[tilespmem:s21+$0x3870 ss:$0x81] =	vst.msk $0xffff, v0  }
0x5c: {  	v2 =	vld [tilespmem:s20+$0x20];
	[tilespmem:s21+$0x810 ss:$0x81] =	vst.msk $0xffff, v1  }
0x5d: {  	s19 =	sshrl.u32 s19, $0x2;
	v1 =	vld [tilespmem:s20+$0xFFFFFFC0];
	[tilespmem:s21+$0x1020 ss:$0x81] =	vst.msk $0xffff, v5;
	s20 =	sadd.s32 $0x80, s20  }
0x5e: {  	s23 =	simm.s32 $0x4;
	s24 =	simm.s32 $0x8;
	s19 =	sor.u32 $0x8000, s19;
	[tilespmem:s21+$0x1830 ss:$0x81] =	vst.msk $0xffff, v6;
	v0 =	vld [tilespmem:s20+$0x30]  }
.LBB1_3:
0x5f: {  	p1 =	sne.s32 s24, $0x1FC;
	v5 =	vld [tilespmem:s20+$0xFFFFFFD0];
	[tilespmem:s21+$0x2040 ss:$0x81] =	vst.msk $0xffff, v4  }
0x60: {  	v6 =	vld [tilespmem:s20+$0xFFFFFFE0];
	[tilespmem:s21+$0x2850 ss:$0x81] =	vst.msk $0xffff, v3  }
0x61: {  	s25 =	sshra.s32 s23, $0x2;
	s23 =	smov.u32 s24;
	v7 =	vld [tilespmem:s20+$0xFFFFFFF0];
	[tilespmem:s21+$0x3060 ss:$0x81] =	vst.msk $0xffff, v2  }
.Ltmp3:
0x62: {  	v4 =	vld [tilespmem:s20+$0x0];
	[tilespmem:s21+$0x0 ss:$0x81] =	vst.msk $0xffff, v1;
	s21 =	sadd.s32 s25, s22;
	(pc) =	sbr.rel @p1 .LBB1_3-.Ltmp3, $4  }
0x63: {  	v3 =	vld [tilespmem:s20+$0x10];
	[tilespmem:s21+$0x3870 ss:$0x81] =	vst.msk $0xffff, v0  }
0x64: {  	[tilespmem:s21+$0x810 ss:$0x81] =	vst.msk $0xffff, v5;
	v2 =	vld [tilespmem:s20+$0x20]  }
0x65: {  	v1 =	vld [tilespmem:s20+$0xFFFFFFC0];
	[tilespmem:s21+$0x1020 ss:$0x81] =	vst.msk $0xffff, v6;
	s20 =	sadd.s32 $0x80, s20  }
0x66: {  	s24 =	sadd.s32 $0x4, s24;
	v0 =	vld [tilespmem:s20+$0x30];
	[tilespmem:s21+$0x1830 ss:$0x81] =	vst.msk $0xffff, v7  }
.Ltmp4:
0x67: {  	_ = 	snop;
	(pc) =	sbr.rel .LBB1_4-.Ltmp4, $1  }
0x68: {  	_ =	sdelay $0x3  }
.LBB1_6:
0x69: {  	_ =	sfence.sel $0x180000  }
0x6a: {  	s2 =	simm.s32 $0x1;
	[bflag:$0x0] =	sbarrier.arrive $0xFFFF  }
0x6b: {  	s31 =	simm.s32 $0x2;
	[sflag:s2] =	ssyncpa.u1 $0x1  }
0x6c: {  	[sflag:s31] =	ssyncpa.u1 $0x1  }
0x6d: {  	p0 =	sne.s32 s0, $0x0;
	_ =	strace $0x9000004D  }
0x6e: {  	s0 =	sadd.s32 @!p0 $0x100000, s1;
	[bflag:$0x2] =	sbarrier.arrive $0xFFFF  }
0x6f: {  	[sflag:s0] =	ssyncadd.tile.s32 @!p0 $0x1;
	_ =	shalt  }
.Lfunc_end1:
_tile_overlayer_lowered:
.L_overlay_start_2:
0x70: {  	(tag) =	ssettag $0x2  }
0x71: {  	s0 =	rddreg [dreg:$0x0];
	s2 =	stileid.u32  }
0x72: {  	s1 =	rddreg [dreg:$0x1];
	p0 =	sne.s32 s2, $0x0  }
0x73: {  	s3 =	rddreg [dreg:$0x2];
	[bflag:$0x3] =	sbarrier.arrive $0xFFFF;
	s2 =	simm.s32 @!p0 $0x1C01  }
0x74: {  	[timem:s3], [sflag:s2] =	dma.local @!p0 [hbm:s0], s1  }
0x75: {  	s0 =	simm.s32 @!p0 $0x1  }
0x76: {  	_ =	swait.ge @!p0 [sflag:s0], s1  }
0x77: {  	s1 =	ssub.s32 @!p0 $0x0, s1;
	[sflag:s0] =	ssyncset.done @!p0 $0x0  }
0x78: {  	[sflag:s0] =	ssyncadd.s32 @!p0 s1  }
0x79: {  	[bflag:$0x3] =	sbarrier.arrive $0xFFFF  }
0x7a: {  	_ =	shalt  }

</sc_bundles>
